<compile_context>
chip_gen: v7x
topology: tpu7x:2x2x1
jax: 0.10.2.dev20260603
libtpu: 0.0.44.dev20260713+nightly
codegen_flags: <defaults>
</compile_context>

<pallas_src>
import functools

import jax
import jax.numpy as jnp
from jax import lax
from jax.experimental import pallas as pl
from jax.experimental.pallas import tpu as pltpu
from jax.experimental.pallas import tpu_sc as plsc

NUM_TABLE_ROWS = 30
EMBED_DIM = 64
NUM_INDICES = 4096 * 200
NUM_CORES = 2
NUM_SUBCORES = 16
NUM_WORKERS = NUM_CORES * NUM_SUBCORES
CHUNK = 400
NBUF = 2

_mesh = plsc.VectorSubcoreMesh(core_axis_name="c", subcore_axis_name="s")


@functools.lru_cache(maxsize=None)
def _make_embed_gather(nbatch):
    nrows = nbatch * 200
    r_per_w = nrows // NUM_WORKERS
    nchunk = r_per_w // CHUNK

    @functools.partial(
        pl.kernel,
        out_type=jax.ShapeDtypeStruct((nbatch, 200, EMBED_DIM), jnp.float32),
        mesh=_mesh,
        scratch_types=[
            pltpu.VMEM_SHARED((NUM_TABLE_ROWS, EMBED_DIM), jnp.float32),
            pltpu.VMEM((NUM_TABLE_ROWS * EMBED_DIM,), jnp.float32),
            [pltpu.VMEM((CHUNK,), jnp.int32) for _ in range(NBUF)],
            [pltpu.VMEM((CHUNK, EMBED_DIM), jnp.float32)
             for _ in range(NBUF)],
            [pltpu.SemaphoreType.DMA for _ in range(NBUF)],
            pltpu.SemaphoreType.DMA,
            [pltpu.SemaphoreType.DMA for _ in range(NBUF)],
        ],
    )
    def _embed_gather(idx_hbm, tb_hbm, out_hbm, tb_sh, tb1d_v, idx_v,
                      rows_v, i_s, g_s, s_s):
        sid = lax.axis_index("s")
        wid = sid * NUM_CORES + lax.axis_index("c")
        base = wid * r_per_w
        out2 = out_hbm.reshape(nrows, EMBED_DIM)

        @pl.when(sid == 0)
        def _():
            pltpu.sync_copy(tb_hbm, tb1d_v)
            for r in range(NUM_TABLE_ROWS):
                pltpu.sync_copy(tb1d_v.at[pl.ds(r * EMBED_DIM, EMBED_DIM)],
                                tb_sh.at[r])
        plsc.subcore_barrier()

        def chunk_off(g):
            return pl.multiple_of(base + g * CHUNK, 16)

        def start_idx(g, b):
            off = chunk_off(g)
            pltpu.async_copy(idx_hbm.at[pl.ds(off, CHUNK)], idx_v[b], i_s[b])

        for b in range(NBUF):
            start_idx(b, b)

        def process(g, b):
            off = chunk_off(g)
            pltpu.make_async_copy(idx_hbm.at[pl.ds(off, CHUNK)],
                                  idx_v[b], i_s[b]).wait()
            @pl.when(g + NBUF < nchunk)
            def _():
                start_idx(g + NBUF, b)
            @pl.when(g >= NBUF)
            def _():
                pltpu.make_async_copy(rows_v[b], out2.at[pl.ds(off, CHUNK)],
                                      s_s[b]).wait()
            pltpu.async_copy(tb_sh.at[idx_v[b]], rows_v[b], g_s).wait()
            pltpu.async_copy(rows_v[b], out2.at[pl.ds(off, CHUNK)], s_s[b])

        def loop_body(i, carry):
            for b in range(NBUF):
                process(i * NBUF + b, b)
            return carry

        lax.fori_loop(0, nchunk // NBUF, loop_body, 0)

        for b in range(NBUF):
            off = chunk_off(nchunk - NBUF + b)
            pltpu.make_async_copy(rows_v[b], out2.at[pl.ds(off, CHUNK)],
                                  s_s[b]).wait()

    return _embed_gather


def kernel(types, table):
    fn = _make_embed_gather(types.shape[0])
    return fn(types.reshape(-1), table.reshape(-1))

# --- scband reference (transcript-rebuilt; emitter-appended) ---
"""Pipeline reference for scband-type-61718680043990 (READ-ONLY COPY).

The authoritative reference and input builder live on the scoring server;
editing this copy changes nothing except your own understanding.
"""

import jax, jax.numpy as jnp
import numpy as np

NUM_TYPES = 30
EMBED_DIM = 64

def setup_inputs(seed: int = 0) -> dict:
    key = jax.random.key(seed)
    k1, k2 = jax.random.split(key)
    types = jax.random.randint(k1, (4096, 200), 0, NUM_TYPES, dtype=jnp.int64 if jax.config.jax_enable_x64 else jnp.int32)
    # learned embedding table, torch nn.Embedding default init: N(0, 1)
    table = jax.random.normal(k2, (NUM_TYPES, EMBED_DIM), dtype=jnp.float32)
    return {"types": types, "table": table}

def reference(types, table):
    # Faithful translation of Type.forward: embedding table lookup
    return jnp.take(table, types, axis=0)

if __name__ == "__main__":
    import jax
    _d = setup_inputs()
    print(jax.jit(kernel)(*tuple(_d.values())))

</pallas_src>

<mosaic_0001>
#map = affine_map<(d0, d1) -> (0)>
#map1 = affine_map<(d0, d1) -> (0, 0, 0)>
module attributes {stable_mosaic.version = 14 : i64} {
  func.func @_embed_gather(%arg0: i32, %arg1: i32, %arg2: memref<819200xi32, #tpu.memory_space<hbm>>, %arg3: memref<1920xf32, #tpu.memory_space<hbm>>, %arg4: memref<4096x200x64xf32, #tpu.memory_space<hbm>>, %arg5: memref<30x64xf32, #tpu.memory_space<vmem_shared>>, %arg6: memref<1920xf32, #tpu.memory_space<vmem>>, %arg7: memref<400xi32, #tpu.memory_space<vmem>>, %arg8: memref<400xi32, #tpu.memory_space<vmem>>, %arg9: memref<400x64xf32, #tpu.memory_space<vmem>>, %arg10: memref<400x64xf32, #tpu.memory_space<vmem>>, %arg11: memref<!tpu.dma_semaphore, #tpu.memory_space<semaphore_mem>>, %arg12: memref<!tpu.dma_semaphore, #tpu.memory_space<semaphore_mem>>, %arg13: memref<!tpu.dma_semaphore, #tpu.memory_space<semaphore_mem>>, %arg14: memref<!tpu.dma_semaphore, #tpu.memory_space<semaphore_mem>>, %arg15: memref<!tpu.dma_semaphore, #tpu.memory_space<semaphore_mem>>) attributes {dimension_semantics = [#tpu.dimension_semantics<core_parallel>, #tpu.dimension_semantics<subcore_parallel>], iteration_bounds = array<i64: 2, 16>, scalar_prefetch = 0 : i64, scratch_operands = 11 : i64, tpu.core_type = #tpu.core_type<sc_vector_subcore>, window_params = [{transform_indices = #map}, {transform_indices = #map}, {transform_indices = #map1}]} {
    %mul3A = arith.constant 2 : i32
    %mul3A_0 = arith.muli %arg1, %mul3A : i32
    %add3A = arith.addi %mul3A_0, %arg0 : i32
    %mul3A_1 = arith.constant 25600 : i32
    %mul3A_2 = arith.muli %add3A, %mul3A_1 : i32
    %eq3A = arith.constant 0 : i32
    %eq3A_3 = arith.cmpi eq, %arg1, %eq3A : i32
    %convert_element_type3A = arith.extui %eq3A_3 : i1 to i32
    %cond3A = arith.constant 0 : i32
    %cond3A_4 = arith.cmpi ne, %convert_element_type3A, %cond3A : i32
    scf.if %cond3A_4 {
      "tpu.region"() ({
        %run_scoped3A_64 = tpu.sem_alloc : memref<!tpu.dma_semaphore, #tpu.memory_space<semaphore_mem>>
        tpu.enqueue_dma source(%arg3 : memref<1920xf32, #tpu.memory_space<hbm>>) target(%arg6 : memref<1920xf32, #tpu.memory_space<vmem>>) target_semaphore(%run_scoped3A_64 : memref<!tpu.dma_semaphore, #tpu.memory_space<semaphore_mem>>)
        tpu.wait_dma2 semaphore(%run_scoped3A_64 : memref<!tpu.dma_semaphore, #tpu.memory_space<semaphore_mem>>) src(%arg3 : memref<1920xf32, #tpu.memory_space<hbm>>) dst(%arg6 : memref<1920xf32, #tpu.memory_space<vmem>>)
        tpu.yield
      }) : () -> ()
      %run_scoped3A = arith.constant 0 : i32
      "tpu.region"() ({
        %run_scoped3A_64 = tpu.sem_alloc : memref<!tpu.dma_semaphore, #tpu.memory_space<semaphore_mem>>
        %dma_start3A_65 = arith.constant 0 : i32
        %dma_start3A_66 = tpu.memref_slice %arg6[%dma_start3A_65] : memref<1920xf32, #tpu.memory_space<vmem>> -> memref<64xf32, #tpu.memory_space<vmem>>
        %dma_start3A_67 = arith.constant 0 : i32
        %dma_start3A_68 = tpu.memref_slice %arg5[%run_scoped3A, %dma_start3A_67] : memref<30x64xf32, #tpu.memory_space<vmem_shared>> -> memref<1x64xf32, #tpu.memory_space<vmem_shared>>
        %dma_start3A_69 = tpu.memref_squeeze %dma_start3A_68 : memref<1x64xf32, #tpu.memory_space<vmem_shared>> -> memref<64xf32, #tpu.memory_space<vmem_shared>>
        %dma_start3A_70 = arith.constant 0 : i32
        %dma_start3A_71 = tpu.memref_slice %arg5[%run_scoped3A, %dma_start3A_70] : memref<30x64xf32, #tpu.memory_space<vmem_shared>> -> memref<1x64xf32, #tpu.memory_space<vmem_shared>>
        %dma_start3A_72 = tpu.memref_squeeze %dma_start3A_71 : memref<1x64xf32, #tpu.memory_space<vmem_shared>> -> memref<64xf32, #tpu.memory_space<vmem_shared>>
        %dma_start3A_73 = arith.constant 0 : i32
        %dma_start3A_74 = tpu.memref_slice %arg6[%dma_start3A_73] : memref<1920xf32, #tpu.memory_space<vmem>> -> memref<64xf32, #tpu.memory_space<vmem>>
        tpu.enqueue_dma source(%dma_start3A_74 : memref<64xf32, #tpu.memory_space<vmem>>) target(%dma_start3A_72 : memref<64xf32, #tpu.memory_space<vmem_shared>>) target_semaphore(%run_scoped3A_64 : memref<!tpu.dma_semaphore, #tpu.memory_space<semaphore_mem>>)
        %dma_wait3A_75 = arith.constant 0 : i32
        %dma_wait3A_76 = tpu.memref_slice %arg6[%dma_wait3A_75] : memref<1920xf32, #tpu.memory_space<vmem>> -> memref<64xf32, #tpu.memory_space<vmem>>
        %dma_wait3A_77 = arith.constant 0 : i32
        %dma_wait3A_78 = tpu.memref_slice %arg5[%run_scoped3A, %dma_wait3A_77] : memref<30x64xf32, #tpu.memory_space<vmem_shared>> -> memref<1x64xf32, #tpu.memory_space<vmem_shared>>
        %dma_wait3A_79 = tpu.memref_squeeze %dma_wait3A_78 : memref<1x64xf32, #tpu.memory_space<vmem_shared>> -> memref<64xf32, #tpu.memory_space<vmem_shared>>
        %dma_wait3A_80 = arith.constant 0 : i32
        %dma_wait3A_81 = tpu.memref_slice %arg5[%run_scoped3A, %dma_wait3A_80] : memref<30x64xf32, #tpu.memory_space<vmem_shared>> -> memref<1x64xf32, #tpu.memory_space<vmem_shared>>
        %dma_wait3A_82 = tpu.memref_squeeze %dma_wait3A_81 : memref<1x64xf32, #tpu.memory_space<vmem_shared>> -> memref<64xf32, #tpu.memory_space<vmem_shared>>
        %dma_wait3A_83 = arith.constant 0 : i32
        %dma_wait3A_84 = tpu.memref_slice %arg6[%dma_wait3A_83] : memref<1920xf32, #tpu.memory_space<vmem>> -> memref<64xf32, #tpu.memory_space<vmem>>
        tpu.wait_dma2 semaphore(%run_scoped3A_64 : memref<!tpu.dma_semaphore, #tpu.memory_space<semaphore_mem>>) src(%dma_wait3A_84 : memref<64xf32, #tpu.memory_space<vmem>>) dst(%dma_wait3A_82 : memref<64xf32, #tpu.memory_space<vmem_shared>>)
        tpu.yield
      }) : () -> ()
      %run_scoped3A_35 = arith.constant 1 : i32
      "tpu.region"() ({
        %run_scoped3A_64 = tpu.sem_alloc : memref<!tpu.dma_semaphore, #tpu.memory_space<semaphore_mem>>
        %dma_start3A_65 = arith.constant 64 : i32
        %dma_start3A_66 = tpu.memref_slice %arg6[%dma_start3A_65] : memref<1920xf32, #tpu.memory_space<vmem>> -> memref<64xf32, #tpu.memory_space<vmem>>
        %dma_start3A_67 = arith.constant 0 : i32
        %dma_start3A_68 = tpu.memref_slice %arg5[%run_scoped3A_35, %dma_start3A_67] : memref<30x64xf32, #tpu.memory_space<vmem_shared>> -> memref<1x64xf32, #tpu.memory_space<vmem_shared>>
        %dma_start3A_69 = tpu.memref_squeeze %dma_start3A_68 : memref<1x64xf32, #tpu.memory_space<vmem_shared>> -> memref<64xf32, #tpu.memory_space<vmem_shared>>
        %dma_start3A_70 = arith.constant 0 : i32
        %dma_start3A_71 = tpu.memref_slice %arg5[%run_scoped3A_35, %dma_start3A_70] : memref<30x64xf32, #tpu.memory_space<vmem_shared>> -> memref<1x64xf32, #tpu.memory_space<vmem_shared>>
        %dma_start3A_72 = tpu.memref_squeeze %dma_start3A_71 : memref<1x64xf32, #tpu.memory_space<vmem_shared>> -> memref<64xf32, #tpu.memory_space<vmem_shared>>
        %dma_start3A_73 = arith.constant 64 : i32
        %dma_start3A_74 = tpu.memref_slice %arg6[%dma_start3A_73] : memref<1920xf32, #tpu.memory_space<vmem>> -> memref<64xf32, #tpu.memory_space<vmem>>
        tpu.enqueue_dma source(%dma_start3A_74 : memref<64xf32, #tpu.memory_space<vmem>>) target(%dma_start3A_72 : memref<64xf32, #tpu.memory_space<vmem_shared>>) target_semaphore(%run_scoped3A_64 : memref<!tpu.dma_semaphore, #tpu.memory_space<semaphore_mem>>)
        %dma_wait3A_75 = arith.constant 64 : i32
        %dma_wait3A_76 = tpu.memref_slice %arg6[%dma_wait3A_75] : memref<1920xf32, #tpu.memory_space<vmem>> -> memref<64xf32, #tpu.memory_space<vmem>>
        %dma_wait3A_77 = arith.constant 0 : i32
        %dma_wait3A_78 = tpu.memref_slice %arg5[%run_scoped3A_35, %dma_wait3A_77] : memref<30x64xf32, #tpu.memory_space<vmem_shared>> -> memref<1x64xf32, #tpu.memory_space<vmem_shared>>
        %dma_wait3A_79 = tpu.memref_squeeze %dma_wait3A_78 : memref<1x64xf32, #tpu.memory_space<vmem_shared>> -> memref<64xf32, #tpu.memory_space<vmem_shared>>
        %dma_wait3A_80 = arith.constant 0 : i32
        %dma_wait3A_81 = tpu.memref_slice %arg5[%run_scoped3A_35, %dma_wait3A_80] : memref<30x64xf32, #tpu.memory_space<vmem_shared>> -> memref<1x64xf32, #tpu.memory_space<vmem_shared>>
        %dma_wait3A_82 = tpu.memref_squeeze %dma_wait3A_81 : memref<1x64xf32, #tpu.memory_space<vmem_shared>> -> memref<64xf32, #tpu.memory_space<vmem_shared>>
        %dma_wait3A_83 = arith.constant 64 : i32
        %dma_wait3A_84 = tpu.memref_slice %arg6[%dma_wait3A_83] : memref<1920xf32, #tpu.memory_space<vmem>> -> memref<64xf32, #tpu.memory_space<vmem>>
        tpu.wait_dma2 semaphore(%run_scoped3A_64 : memref<!tpu.dma_semaphore, #tpu.memory_space<semaphore_mem>>) src(%dma_wait3A_84 : memref<64xf32, #tpu.memory_space<vmem>>) dst(%dma_wait3A_82 : memref<64xf32, #tpu.memory_space<vmem_shared>>)
        tpu.yield
      }) : () -> ()
      %run_scoped3A_36 = arith.constant 2 : i32
      "tpu.region"() ({
        %run_scoped3A_64 = tpu.sem_alloc : memref<!tpu.dma_semaphore, #tpu.memory_space<semaphore_mem>>
        %dma_start3A_65 = arith.constant 128 : i32
        %dma_start3A_66 = tpu.memref_slice %arg6[%dma_start3A_65] : memref<1920xf32, #tpu.memory_space<vmem>> -> memref<64xf32, #tpu.memory_space<vmem>>
        %dma_start3A_67 = arith.constant 0 : i32
        %dma_start3A_68 = tpu.memref_slice %arg5[%run_scoped3A_36, %dma_start3A_67] : memref<30x64xf32, #tpu.memory_space<vmem_shared>> -> memref<1x64xf32, #tpu.memory_space<vmem_shared>>
        %dma_start3A_69 = tpu.memref_squeeze %dma_start3A_68 : memref<1x64xf32, #tpu.memory_space<vmem_shared>> -> memref<64xf32, #tpu.memory_space<vmem_shared>>
        %dma_start3A_70 = arith.constant 0 : i32
        %dma_start3A_71 = tpu.memref_slice %arg5[%run_scoped3A_36, %dma_start3A_70] : memref<30x64xf32, #tpu.memory_space<vmem_shared>> -> memref<1x64xf32, #tpu.memory_space<vmem_shared>>
        %dma_start3A_72 = tpu.memref_squeeze %dma_start3A_71 : memref<1x64xf32, #tpu.memory_space<vmem_shared>> -> memref<64xf32, #tpu.memory_space<vmem_shared>>
        %dma_start3A_73 = arith.constant 128 : i32
        %dma_start3A_74 = tpu.memref_slice %arg6[%dma_start3A_73] : memref<1920xf32, #tpu.memory_space<vmem>> -> memref<64xf32, #tpu.memory_space<vmem>>
        tpu.enqueue_dma source(%dma_start3A_74 : memref<64xf32, #tpu.memory_space<vmem>>) target(%dma_start3A_72 : memref<64xf32, #tpu.memory_space<vmem_shared>>) target_semaphore(%run_scoped3A_64 : memref<!tpu.dma_semaphore, #tpu.memory_space<semaphore_mem>>)
        %dma_wait3A_75 = arith.constant 128 : i32
        %dma_wait3A_76 = tpu.memref_slice %arg6[%dma_wait3A_75] : memref<1920xf32, #tpu.memory_space<vmem>> -> memref<64xf32, #tpu.memory_space<vmem>>
        %dma_wait3A_77 = arith.constant 0 : i32
        %dma_wait3A_78 = tpu.memref_slice %arg5[%run_scoped3A_36, %dma_wait3A_77] : memref<30x64xf32, #tpu.memory_space<vmem_shared>> -> memref<1x64xf32, #tpu.memory_space<vmem_shared>>
        %dma_wait3A_79 = tpu.memref_squeeze %dma_wait3A_78 : memref<1x64xf32, #tpu.memory_space<vmem_shared>> -> memref<64xf32, #tpu.memory_space<vmem_shared>>
        %dma_wait3A_80 = arith.constant 0 : i32
        %dma_wait3A_81 = tpu.memref_slice %arg5[%run_scoped3A_36, %dma_wait3A_80] : memref<30x64xf32, #tpu.memory_space<vmem_shared>> -> memref<1x64xf32, #tpu.memory_space<vmem_shared>>
        %dma_wait3A_82 = tpu.memref_squeeze %dma_wait3A_81 : memref<1x64xf32, #tpu.memory_space<vmem_shared>> -> memref<64xf32, #tpu.memory_space<vmem_shared>>
        %dma_wait3A_83 = arith.constant 128 : i32
        %dma_wait3A_84 = tpu.memref_slice %arg6[%dma_wait3A_83] : memref<1920xf32, #tpu.memory_space<vmem>> -> memref<64xf32, #tpu.memory_space<vmem>>
        tpu.wait_dma2 semaphore(%run_scoped3A_64 : memref<!tpu.dma_semaphore, #tpu.memory_space<semaphore_mem>>) src(%dma_wait3A_84 : memref<64xf32, #tpu.memory_space<vmem>>) dst(%dma_wait3A_82 : memref<64xf32, #tpu.memory_space<vmem_shared>>)
        tpu.yield
      }) : () -> ()
      %run_scoped3A_37 = arith.constant 3 : i32
      "tpu.region"() ({
        %run_scoped3A_64 = tpu.sem_alloc : memref<!tpu.dma_semaphore, #tpu.memory_space<semaphore_mem>>
        %dma_start3A_65 = arith.constant 192 : i32
        %dma_start3A_66 = tpu.memref_slice %arg6[%dma_start3A_65] : memref<1920xf32, #tpu.memory_space<vmem>> -> memref<64xf32, #tpu.memory_space<vmem>>
        %dma_start3A_67 = arith.constant 0 : i32
        %dma_start3A_68 = tpu.memref_slice %arg5[%run_scoped3A_37, %dma_start3A_67] : memref<30x64xf32, #tpu.memory_space<vmem_shared>> -> memref<1x64xf32, #tpu.memory_space<vmem_shared>>
        %dma_start3A_69 = tpu.memref_squeeze %dma_start3A_68 : memref<1x64xf32, #tpu.memory_space<vmem_shared>> -> memref<64xf32, #tpu.memory_space<vmem_shared>>
        %dma_start3A_70 = arith.constant 0 : i32
        %dma_start3A_71 = tpu.memref_slice %arg5[%run_scoped3A_37, %dma_start3A_70] : memref<30x64xf32, #tpu.memory_space<vmem_shared>> -> memref<1x64xf32, #tpu.memory_space<vmem_shared>>
        %dma_start3A_72 = tpu.memref_squeeze %dma_start3A_71 : memref<1x64xf32, #tpu.memory_space<vmem_shared>> -> memref<64xf32, #tpu.memory_space<vmem_shared>>
        %dma_start3A_73 = arith.constant 192 : i32
        %dma_start3A_74 = tpu.memref_slice %arg6[%dma_start3A_73] : memref<1920xf32, #tpu.memory_space<vmem>> -> memref<64xf32, #tpu.memory_space<vmem>>
        tpu.enqueue_dma source(%dma_start3A_74 : memref<64xf32, #tpu.memory_space<vmem>>) target(%dma_start3A_72 : memref<64xf32, #tpu.memory_space<vmem_shared>>) target_semaphore(%run_scoped3A_64 : memref<!tpu.dma_semaphore, #tpu.memory_space<semaphore_mem>>)
        %dma_wait3A_75 = arith.constant 192 : i32
        %dma_wait3A_76 = tpu.memref_slice %arg6[%dma_wait3A_75] : memref<1920xf32, #tpu.memory_space<vmem>> -> memref<64xf32, #tpu.memory_space<vmem>>
        %dma_wait3A_77 = arith.constant 0 : i32
        %dma_wait3A_78 = tpu.memref_slice %arg5[%run_scoped3A_37, %dma_wait3A_77] : memref<30x64xf32, #tpu.memory_space<vmem_shared>> -> memref<1x64xf32, #tpu.memory_space<vmem_shared>>
        %dma_wait3A_79 = tpu.memref_squeeze %dma_wait3A_78 : memref<1x64xf32, #tpu.memory_space<vmem_shared>> -> memref<64xf32, #tpu.memory_space<vmem_shared>>
        %dma_wait3A_80 = arith.constant 0 : i32
        %dma_wait3A_81 = tpu.memref_slice %arg5[%run_scoped3A_37, %dma_wait3A_80] : memref<30x64xf32, #tpu.memory_space<vmem_shared>> -> memref<1x64xf32, #tpu.memory_space<vmem_shared>>
        %dma_wait3A_82 = tpu.memref_squeeze %dma_wait3A_81 : memref<1x64xf32, #tpu.memory_space<vmem_shared>> -> memref<64xf32, #tpu.memory_space<vmem_shared>>
        %dma_wait3A_83 = arith.constant 192 : i32
        %dma_wait3A_84 = tpu.memref_slice %arg6[%dma_wait3A_83] : memref<1920xf32, #tpu.memory_space<vmem>> -> memref<64xf32, #tpu.memory_space<vmem>>
        tpu.wait_dma2 semaphore(%run_scoped3A_64 : memref<!tpu.dma_semaphore, #tpu.memory_space<semaphore_mem>>) src(%dma_wait3A_84 : memref<64xf32, #tpu.memory_space<vmem>>) dst(%dma_wait3A_82 : memref<64xf32, #tpu.memory_space<vmem_shared>>)
        tpu.yield
      }) : () -> ()
      %run_scoped3A_38 = arith.constant 4 : i32
      "tpu.region"() ({
        %run_scoped3A_64 = tpu.sem_alloc : memref<!tpu.dma_semaphore, #tpu.memory_space<semaphore_mem>>
        %dma_start3A_65 = arith.constant 256 : i32
        %dma_start3A_66 = tpu.memref_slice %arg6[%dma_start3A_65] : memref<1920xf32, #tpu.memory_space<vmem>> -> memref<64xf32, #tpu.memory_space<vmem>>
        %dma_start3A_67 = arith.constant 0 : i32
        %dma_start3A_68 = tpu.memref_slice %arg5[%run_scoped3A_38, %dma_start3A_67] : memref<30x64xf32, #tpu.memory_space<vmem_shared>> -> memref<1x64xf32, #tpu.memory_space<vmem_shared>>
        %dma_start3A_69 = tpu.memref_squeeze %dma_start3A_68 : memref<1x64xf32, #tpu.memory_space<vmem_shared>> -> memref<64xf32, #tpu.memory_space<vmem_shared>>
        %dma_start3A_70 = arith.constant 0 : i32
        %dma_start3A_71 = tpu.memref_slice %arg5[%run_scoped3A_38, %dma_start3A_70] : memref<30x64xf32, #tpu.memory_space<vmem_shared>> -> memref<1x64xf32, #tpu.memory_space<vmem_shared>>
        %dma_start3A_72 = tpu.memref_squeeze %dma_start3A_71 : memref<1x64xf32, #tpu.memory_space<vmem_shared>> -> memref<64xf32, #tpu.memory_space<vmem_shared>>
        %dma_start3A_73 = arith.constant 256 : i32
        %dma_start3A_74 = tpu.memref_slice %arg6[%dma_start3A_73] : memref<1920xf32, #tpu.memory_space<vmem>> -> memref<64xf32, #tpu.memory_space<vmem>>
        tpu.enqueue_dma source(%dma_start3A_74 : memref<64xf32, #tpu.memory_space<vmem>>) target(%dma_start3A_72 : memref<64xf32, #tpu.memory_space<vmem_shared>>) target_semaphore(%run_scoped3A_64 : memref<!tpu.dma_semaphore, #tpu.memory_space<semaphore_mem>>)
        %dma_wait3A_75 = arith.constant 256 : i32
        %dma_wait3A_76 = tpu.memref_slice %arg6[%dma_wait3A_75] : memref<1920xf32, #tpu.memory_space<vmem>> -> memref<64xf32, #tpu.memory_space<vmem>>
        %dma_wait3A_77 = arith.constant 0 : i32
        %dma_wait3A_78 = tpu.memref_slice %arg5[%run_scoped3A_38, %dma_wait3A_77] : memref<30x64xf32, #tpu.memory_space<vmem_shared>> -> memref<1x64xf32, #tpu.memory_space<vmem_shared>>
        %dma_wait3A_79 = tpu.memref_squeeze %dma_wait3A_78 : memref<1x64xf32, #tpu.memory_space<vmem_shared>> -> memref<64xf32, #tpu.memory_space<vmem_shared>>
        %dma_wait3A_80 = arith.constant 0 : i32
        %dma_wait3A_81 = tpu.memref_slice %arg5[%run_scoped3A_38, %dma_wait3A_80] : memref<30x64xf32, #tpu.memory_space<vmem_shared>> -> memref<1x64xf32, #tpu.memory_space<vmem_shared>>
        %dma_wait3A_82 = tpu.memref_squeeze %dma_wait3A_81 : memref<1x64xf32, #tpu.memory_space<vmem_shared>> -> memref<64xf32, #tpu.memory_space<vmem_shared>>
        %dma_wait3A_83 = arith.constant 256 : i32
        %dma_wait3A_84 = tpu.memref_slice %arg6[%dma_wait3A_83] : memref<1920xf32, #tpu.memory_space<vmem>> -> memref<64xf32, #tpu.memory_space<vmem>>
        tpu.wait_dma2 semaphore(%run_scoped3A_64 : memref<!tpu.dma_semaphore, #tpu.memory_space<semaphore_mem>>) src(%dma_wait3A_84 : memref<64xf32, #tpu.memory_space<vmem>>) dst(%dma_wait3A_82 : memref<64xf32, #tpu.memory_space<vmem_shared>>)
        tpu.yield
      }) : () -> ()
      %run_scoped3A_39 = arith.constant 5 : i32
      "tpu.region"() ({
        %run_scoped3A_64 = tpu.sem_alloc : memref<!tpu.dma_semaphore, #tpu.memory_space<semaphore_mem>>
        %dma_start3A_65 = arith.constant 320 : i32
        %dma_start3A_66 = tpu.memref_slice %arg6[%dma_start3A_65] : memref<1920xf32, #tpu.memory_space<vmem>> -> memref<64xf32, #tpu.memory_space<vmem>>
        %dma_start3A_67 = arith.constant 0 : i32
        %dma_start3A_68 = tpu.memref_slice %arg5[%run_scoped3A_39, %dma_start3A_67] : memref<30x64xf32, #tpu.memory_space<vmem_shared>> -> memref<1x64xf32, #tpu.memory_space<vmem_shared>>
        %dma_start3A_69 = tpu.memref_squeeze %dma_start3A_68 : memref<1x64xf32, #tpu.memory_space<vmem_shared>> -> memref<64xf32, #tpu.memory_space<vmem_shared>>
        %dma_start3A_70 = arith.constant 0 : i32
        %dma_start3A_71 = tpu.memref_slice %arg5[%run_scoped3A_39, %dma_start3A_70] : memref<30x64xf32, #tpu.memory_space<vmem_shared>> -> memref<1x64xf32, #tpu.memory_space<vmem_shared>>
        %dma_start3A_72 = tpu.memref_squeeze %dma_start3A_71 : memref<1x64xf32, #tpu.memory_space<vmem_shared>> -> memref<64xf32, #tpu.memory_space<vmem_shared>>
        %dma_start3A_73 = arith.constant 320 : i32
        %dma_start3A_74 = tpu.memref_slice %arg6[%dma_start3A_73] : memref<1920xf32, #tpu.memory_space<vmem>> -> memref<64xf32, #tpu.memory_space<vmem>>
        tpu.enqueue_dma source(%dma_start3A_74 : memref<64xf32, #tpu.memory_space<vmem>>) target(%dma_start3A_72 : memref<64xf32, #tpu.memory_space<vmem_shared>>) target_semaphore(%run_scoped3A_64 : memref<!tpu.dma_semaphore, #tpu.memory_space<semaphore_mem>>)
        %dma_wait3A_75 = arith.constant 320 : i32
        %dma_wait3A_76 = tpu.memref_slice %arg6[%dma_wait3A_75] : memref<1920xf32, #tpu.memory_space<vmem>> -> memref<64xf32, #tpu.memory_space<vmem>>
        %dma_wait3A_77 = arith.constant 0 : i32
        %dma_wait3A_78 = tpu.memref_slice %arg5[%run_scoped3A_39, %dma_wait3A_77] : memref<30x64xf32, #tpu.memory_space<vmem_shared>> -> memref<1x64xf32, #tpu.memory_space<vmem_shared>>
        %dma_wait3A_79 = tpu.memref_squeeze %dma_wait3A_78 : memref<1x64xf32, #tpu.memory_space<vmem_shared>> -> memref<64xf32, #tpu.memory_space<vmem_shared>>
        %dma_wait3A_80 = arith.constant 0 : i32
        %dma_wait3A_81 = tpu.memref_slice %arg5[%run_scoped3A_39, %dma_wait3A_80] : memref<30x64xf32, #tpu.memory_space<vmem_shared>> -> memref<1x64xf32, #tpu.memory_space<vmem_shared>>
        %dma_wait3A_82 = tpu.memref_squeeze %dma_wait3A_81 : memref<1x64xf32, #tpu.memory_space<vmem_shared>> -> memref<64xf32, #tpu.memory_space<vmem_shared>>
        %dma_wait3A_83 = arith.constant 320 : i32
        %dma_wait3A_84 = tpu.memref_slice %arg6[%dma_wait3A_83] : memref<1920xf32, #tpu.memory_space<vmem>> -> memref<64xf32, #tpu.memory_space<vmem>>
        tpu.wait_dma2 semaphore(%run_scoped3A_64 : memref<!tpu.dma_semaphore, #tpu.memory_space<semaphore_mem>>) src(%dma_wait3A_84 : memref<64xf32, #tpu.memory_space<vmem>>) dst(%dma_wait3A_82 : memref<64xf32, #tpu.memory_space<vmem_shared>>)
        tpu.yield
      }) : () -> ()
      %run_scoped3A_40 = arith.constant 6 : i32
      "tpu.region"() ({
        %run_scoped3A_64 = tpu.sem_alloc : memref<!tpu.dma_semaphore, #tpu.memory_space<semaphore_mem>>
        %dma_start3A_65 = arith.constant 384 : i32
        %dma_start3A_66 = tpu.memref_slice %arg6[%dma_start3A_65] : memref<1920xf32, #tpu.memory_space<vmem>> -> memref<64xf32, #tpu.memory_space<vmem>>
        %dma_start3A_67 = arith.constant 0 : i32
        %dma_start3A_68 = tpu.memref_slice %arg5[%run_scoped3A_40, %dma_start3A_67] : memref<30x64xf32, #tpu.memory_space<vmem_shared>> -> memref<1x64xf32, #tpu.memory_space<vmem_shared>>
        %dma_start3A_69 = tpu.memref_squeeze %dma_start3A_68 : memref<1x64xf32, #tpu.memory_space<vmem_shared>> -> memref<64xf32, #tpu.memory_space<vmem_shared>>
        %dma_start3A_70 = arith.constant 0 : i32
        %dma_start3A_71 = tpu.memref_slice %arg5[%run_scoped3A_40, %dma_start3A_70] : memref<30x64xf32, #tpu.memory_space<vmem_shared>> -> memref<1x64xf32, #tpu.memory_space<vmem_shared>>
        %dma_start3A_72 = tpu.memref_squeeze %dma_start3A_71 : memref<1x64xf32, #tpu.memory_space<vmem_shared>> -> memref<64xf32, #tpu.memory_space<vmem_shared>>
        %dma_start3A_73 = arith.constant 384 : i32
        %dma_start3A_74 = tpu.memref_slice %arg6[%dma_start3A_73] : memref<1920xf32, #tpu.memory_space<vmem>> -> memref<64xf32, #tpu.memory_space<vmem>>
        tpu.enqueue_dma source(%dma_start3A_74 : memref<64xf32, #tpu.memory_space<vmem>>) target(%dma_start3A_72 : memref<64xf32, #tpu.memory_space<vmem_shared>>) target_semaphore(%run_scoped3A_64 : memref<!tpu.dma_semaphore, #tpu.memory_space<semaphore_mem>>)
        %dma_wait3A_75 = arith.constant 384 : i32
        %dma_wait3A_76 = tpu.memref_slice %arg6[%dma_wait3A_75] : memref<1920xf32, #tpu.memory_space<vmem>> -> memref<64xf32, #tpu.memory_space<vmem>>
        %dma_wait3A_77 = arith.constant 0 : i32
        %dma_wait3A_78 = tpu.memref_slice %arg5[%run_scoped3A_40, %dma_wait3A_77] : memref<30x64xf32, #tpu.memory_space<vmem_shared>> -> memref<1x64xf32, #tpu.memory_space<vmem_shared>>
        %dma_wait3A_79 = tpu.memref_squeeze %dma_wait3A_78 : memref<1x64xf32, #tpu.memory_space<vmem_shared>> -> memref<64xf32, #tpu.memory_space<vmem_shared>>
        %dma_wait3A_80 = arith.constant 0 : i32
        %dma_wait3A_81 = tpu.memref_slice %arg5[%run_scoped3A_40, %dma_wait3A_80] : memref<30x64xf32, #tpu.memory_space<vmem_shared>> -> memref<1x64xf32, #tpu.memory_space<vmem_shared>>
        %dma_wait3A_82 = tpu.memref_squeeze %dma_wait3A_81 : memref<1x64xf32, #tpu.memory_space<vmem_shared>> -> memref<64xf32, #tpu.memory_space<vmem_shared>>
        %dma_wait3A_83 = arith.constant 384 : i32
        %dma_wait3A_84 = tpu.memref_slice %arg6[%dma_wait3A_83] : memref<1920xf32, #tpu.memory_space<vmem>> -> memref<64xf32, #tpu.memory_space<vmem>>
        tpu.wait_dma2 semaphore(%run_scoped3A_64 : memref<!tpu.dma_semaphore, #tpu.memory_space<semaphore_mem>>) src(%dma_wait3A_84 : memref<64xf32, #tpu.memory_space<vmem>>) dst(%dma_wait3A_82 : memref<64xf32, #tpu.memory_space<vmem_shared>>)
        tpu.yield
      }) : () -> ()
      %run_scoped3A_41 = arith.constant 7 : i32
      "tpu.region"() ({
        %run_scoped3A_64 = tpu.sem_alloc : memref<!tpu.dma_semaphore, #tpu.memory_space<semaphore_mem>>
        %dma_start3A_65 = arith.constant 448 : i32
        %dma_start3A_66 = tpu.memref_slice %arg6[%dma_start3A_65] : memref<1920xf32, #tpu.memory_space<vmem>> -> memref<64xf32, #tpu.memory_space<vmem>>
        %dma_start3A_67 = arith.constant 0 : i32
        %dma_start3A_68 = tpu.memref_slice %arg5[%run_scoped3A_41, %dma_start3A_67] : memref<30x64xf32, #tpu.memory_space<vmem_shared>> -> memref<1x64xf32, #tpu.memory_space<vmem_shared>>
        %dma_start3A_69 = tpu.memref_squeeze %dma_start3A_68 : memref<1x64xf32, #tpu.memory_space<vmem_shared>> -> memref<64xf32, #tpu.memory_space<vmem_shared>>
        %dma_start3A_70 = arith.constant 0 : i32
        %dma_start3A_71 = tpu.memref_slice %arg5[%run_scoped3A_41, %dma_start3A_70] : memref<30x64xf32, #tpu.memory_space<vmem_shared>> -> memref<1x64xf32, #tpu.memory_space<vmem_shared>>
        %dma_start3A_72 = tpu.memref_squeeze %dma_start3A_71 : memref<1x64xf32, #tpu.memory_space<vmem_shared>> -> memref<64xf32, #tpu.memory_space<vmem_shared>>
        %dma_start3A_73 = arith.constant 448 : i32
        %dma_start3A_74 = tpu.memref_slice %arg6[%dma_start3A_73] : memref<1920xf32, #tpu.memory_space<vmem>> -> memref<64xf32, #tpu.memory_space<vmem>>
        tpu.enqueue_dma source(%dma_start3A_74 : memref<64xf32, #tpu.memory_space<vmem>>) target(%dma_start3A_72 : memref<64xf32, #tpu.memory_space<vmem_shared>>) target_semaphore(%run_scoped3A_64 : memref<!tpu.dma_semaphore, #tpu.memory_space<semaphore_mem>>)
        %dma_wait3A_75 = arith.constant 448 : i32
        %dma_wait3A_76 = tpu.memref_slice %arg6[%dma_wait3A_75] : memref<1920xf32, #tpu.memory_space<vmem>> -> memref<64xf32, #tpu.memory_space<vmem>>
        %dma_wait3A_77 = arith.constant 0 : i32
        %dma_wait3A_78 = tpu.memref_slice %arg5[%run_scoped3A_41, %dma_wait3A_77] : memref<30x64xf32, #tpu.memory_space<vmem_shared>> -> memref<1x64xf32, #tpu.memory_space<vmem_shared>>
        %dma_wait3A_79 = tpu.memref_squeeze %dma_wait3A_78 : memref<1x64xf32, #tpu.memory_space<vmem_shared>> -> memref<64xf32, #tpu.memory_space<vmem_shared>>
        %dma_wait3A_80 = arith.constant 0 : i32
        %dma_wait3A_81 = tpu.memref_slice %arg5[%run_scoped3A_41, %dma_wait3A_80] : memref<30x64xf32, #tpu.memory_space<vmem_shared>> -> memref<1x64xf32, #tpu.memory_space<vmem_shared>>
        %dma_wait3A_82 = tpu.memref_squeeze %dma_wait3A_81 : memref<1x64xf32, #tpu.memory_space<vmem_shared>> -> memref<64xf32, #tpu.memory_space<vmem_shared>>
        %dma_wait3A_83 = arith.constant 448 : i32
        %dma_wait3A_84 = tpu.memref_slice %arg6[%dma_wait3A_83] : memref<1920xf32, #tpu.memory_space<vmem>> -> memref<64xf32, #tpu.memory_space<vmem>>
        tpu.wait_dma2 semaphore(%run_scoped3A_64 : memref<!tpu.dma_semaphore, #tpu.memory_space<semaphore_mem>>) src(%dma_wait3A_84 : memref<64xf32, #tpu.memory_space<vmem>>) dst(%dma_wait3A_82 : memref<64xf32, #tpu.memory_space<vmem_shared>>)
        tpu.yield
      }) : () -> ()
      %run_scoped3A_42 = arith.constant 8 : i32
      "tpu.region"() ({
        %run_scoped3A_64 = tpu.sem_alloc : memref<!tpu.dma_semaphore, #tpu.memory_space<semaphore_mem>>
        %dma_start3A_65 = arith.constant 512 : i32
        %dma_start3A_66 = tpu.memref_slice %arg6[%dma_start3A_65] : memref<1920xf32, #tpu.memory_space<vmem>> -> memref<64xf32, #tpu.memory_space<vmem>>
        %dma_start3A_67 = arith.constant 0 : i32
        %dma_start3A_68 = tpu.memref_slice %arg5[%run_scoped3A_42, %dma_start3A_67] : memref<30x64xf32, #tpu.memory_space<vmem_shared>> -> memref<1x64xf32, #tpu.memory_space<vmem_shared>>
        %dma_start3A_69 = tpu.memref_squeeze %dma_start3A_68 : memref<1x64xf32, #tpu.memory_space<vmem_shared>> -> memref<64xf32, #tpu.memory_space<vmem_shared>>
        %dma_start3A_70 = arith.constant 0 : i32
        %dma_start3A_71 = tpu.memref_slice %arg5[%run_scoped3A_42, %dma_start3A_70] : memref<30x64xf32, #tpu.memory_space<vmem_shared>> -> memref<1x64xf32, #tpu.memory_space<vmem_shared>>
        %dma_start3A_72 = tpu.memref_squeeze %dma_start3A_71 : memref<1x64xf32, #tpu.memory_space<vmem_shared>> -> memref<64xf32, #tpu.memory_space<vmem_shared>>
        %dma_start3A_73 = arith.constant 512 : i32
        %dma_start3A_74 = tpu.memref_slice %arg6[%dma_start3A_73] : memref<1920xf32, #tpu.memory_space<vmem>> -> memref<64xf32, #tpu.memory_space<vmem>>
        tpu.enqueue_dma source(%dma_start3A_74 : memref<64xf32, #tpu.memory_space<vmem>>) target(%dma_start3A_72 : memref<64xf32, #tpu.memory_space<vmem_shared>>) target_semaphore(%run_scoped3A_64 : memref<!tpu.dma_semaphore, #tpu.memory_space<semaphore_mem>>)
        %dma_wait3A_75 = arith.constant 512 : i32
        %dma_wait3A_76 = tpu.memref_slice %arg6[%dma_wait3A_75] : memref<1920xf32, #tpu.memory_space<vmem>> -> memref<64xf32, #tpu.memory_space<vmem>>
        %dma_wait3A_77 = arith.constant 0 : i32
        %dma_wait3A_78 = tpu.memref_slice %arg5[%run_scoped3A_42, %dma_wait3A_77] : memref<30x64xf32, #tpu.memory_space<vmem_shared>> -> memref<1x64xf32, #tpu.memory_space<vmem_shared>>
        %dma_wait3A_79 = tpu.memref_squeeze %dma_wait3A_78 : memref<1x64xf32, #tpu.memory_space<vmem_shared>> -> memref<64xf32, #tpu.memory_space<vmem_shared>>
        %dma_wait3A_80 = arith.constant 0 : i32
        %dma_wait3A_81 = tpu.memref_slice %arg5[%run_scoped3A_42, %dma_wait3A_80] : memref<30x64xf32, #tpu.memory_space<vmem_shared>> -> memref<1x64xf32, #tpu.memory_space<vmem_shared>>
        %dma_wait3A_82 = tpu.memref_squeeze %dma_wait3A_81 : memref<1x64xf32, #tpu.memory_space<vmem_shared>> -> memref<64xf32, #tpu.memory_space<vmem_shared>>
        %dma_wait3A_83 = arith.constant 512 : i32
        %dma_wait3A_84 = tpu.memref_slice %arg6[%dma_wait3A_83] : memref<1920xf32, #tpu.memory_space<vmem>> -> memref<64xf32, #tpu.memory_space<vmem>>
        tpu.wait_dma2 semaphore(%run_scoped3A_64 : memref<!tpu.dma_semaphore, #tpu.memory_space<semaphore_mem>>) src(%dma_wait3A_84 : memref<64xf32, #tpu.memory_space<vmem>>) dst(%dma_wait3A_82 : memref<64xf32, #tpu.memory_space<vmem_shared>>)
        tpu.yield
      }) : () -> ()
      %run_scoped3A_43 = arith.constant 9 : i32
      "tpu.region"() ({
        %run_scoped3A_64 = tpu.sem_alloc : memref<!tpu.dma_semaphore, #tpu.memory_space<semaphore_mem>>
        %dma_start3A_65 = arith.constant 576 : i32
        %dma_start3A_66 = tpu.memref_slice %arg6[%dma_start3A_65] : memref<1920xf32, #tpu.memory_space<vmem>> -> memref<64xf32, #tpu.memory_space<vmem>>
        %dma_start3A_67 = arith.constant 0 : i32
        %dma_start3A_68 = tpu.memref_slice %arg5[%run_scoped3A_43, %dma_start3A_67] : memref<30x64xf32, #tpu.memory_space<vmem_shared>> -> memref<1x64xf32, #tpu.memory_space<vmem_shared>>
        %dma_start3A_69 = tpu.memref_squeeze %dma_start3A_68 : memref<1x64xf32, #tpu.memory_space<vmem_shared>> -> memref<64xf32, #tpu.memory_space<vmem_shared>>
        %dma_start3A_70 = arith.constant 0 : i32
        %dma_start3A_71 = tpu.memref_slice %arg5[%run_scoped3A_43, %dma_start3A_70] : memref<30x64xf32, #tpu.memory_space<vmem_shared>> -> memref<1x64xf32, #tpu.memory_space<vmem_shared>>
        %dma_start3A_72 = tpu.memref_squeeze %dma_start3A_71 : memref<1x64xf32, #tpu.memory_space<vmem_shared>> -> memref<64xf32, #tpu.memory_space<vmem_shared>>
        %dma_start3A_73 = arith.constant 576 : i32
        %dma_start3A_74 = tpu.memref_slice %arg6[%dma_start3A_73] : memref<1920xf32, #tpu.memory_space<vmem>> -> memref<64xf32, #tpu.memory_space<vmem>>
        tpu.enqueue_dma source(%dma_start3A_74 : memref<64xf32, #tpu.memory_space<vmem>>) target(%dma_start3A_72 : memref<64xf32, #tpu.memory_space<vmem_shared>>) target_semaphore(%run_scoped3A_64 : memref<!tpu.dma_semaphore, #tpu.memory_space<semaphore_mem>>)
        %dma_wait3A_75 = arith.constant 576 : i32
        %dma_wait3A_76 = tpu.memref_slice %arg6[%dma_wait3A_75] : memref<1920xf32, #tpu.memory_space<vmem>> -> memref<64xf32, #tpu.memory_space<vmem>>
        %dma_wait3A_77 = arith.constant 0 : i32
        %dma_wait3A_78 = tpu.memref_slice %arg5[%run_scoped3A_43, %dma_wait3A_77] : memref<30x64xf32, #tpu.memory_space<vmem_shared>> -> memref<1x64xf32, #tpu.memory_space<vmem_shared>>
        %dma_wait3A_79 = tpu.memref_squeeze %dma_wait3A_78 : memref<1x64xf32, #tpu.memory_space<vmem_shared>> -> memref<64xf32, #tpu.memory_space<vmem_shared>>
        %dma_wait3A_80 = arith.constant 0 : i32
        %dma_wait3A_81 = tpu.memref_slice %arg5[%run_scoped3A_43, %dma_wait3A_80] : memref<30x64xf32, #tpu.memory_space<vmem_shared>> -> memref<1x64xf32, #tpu.memory_space<vmem_shared>>
        %dma_wait3A_82 = tpu.memref_squeeze %dma_wait3A_81 : memref<1x64xf32, #tpu.memory_space<vmem_shared>> -> memref<64xf32, #tpu.memory_space<vmem_shared>>
        %dma_wait3A_83 = arith.constant 576 : i32
        %dma_wait3A_84 = tpu.memref_slice %arg6[%dma_wait3A_83] : memref<1920xf32, #tpu.memory_space<vmem>> -> memref<64xf32, #tpu.memory_space<vmem>>
        tpu.wait_dma2 semaphore(%run_scoped3A_64 : memref<!tpu.dma_semaphore, #tpu.memory_space<semaphore_mem>>) src(%dma_wait3A_84 : memref<64xf32, #tpu.memory_space<vmem>>) dst(%dma_wait3A_82 : memref<64xf32, #tpu.memory_space<vmem_shared>>)
        tpu.yield
      }) : () -> ()
      %run_scoped3A_44 = arith.constant 10 : i32
      "tpu.region"() ({
        %run_scoped3A_64 = tpu.sem_alloc : memref<!tpu.dma_semaphore, #tpu.memory_space<semaphore_mem>>
        %dma_start3A_65 = arith.constant 640 : i32
        %dma_start3A_66 = tpu.memref_slice %arg6[%dma_start3A_65] : memref<1920xf32, #tpu.memory_space<vmem>> -> memref<64xf32, #tpu.memory_space<vmem>>
        %dma_start3A_67 = arith.constant 0 : i32
        %dma_start3A_68 = tpu.memref_slice %arg5[%run_scoped3A_44, %dma_start3A_67] : memref<30x64xf32, #tpu.memory_space<vmem_shared>> -> memref<1x64xf32, #tpu.memory_space<vmem_shared>>
        %dma_start3A_69 = tpu.memref_squeeze %dma_start3A_68 : memref<1x64xf32, #tpu.memory_space<vmem_shared>> -> memref<64xf32, #tpu.memory_space<vmem_shared>>
        %dma_start3A_70 = arith.constant 0 : i32
        %dma_start3A_71 = tpu.memref_slice %arg5[%run_scoped3A_44, %dma_start3A_70] : memref<30x64xf32, #tpu.memory_space<vmem_shared>> -> memref<1x64xf32, #tpu.memory_space<vmem_shared>>
        %dma_start3A_72 = tpu.memref_squeeze %dma_start3A_71 : memref<1x64xf32, #tpu.memory_space<vmem_shared>> -> memref<64xf32, #tpu.memory_space<vmem_shared>>
        %dma_start3A_73 = arith.constant 640 : i32
        %dma_start3A_74 = tpu.memref_slice %arg6[%dma_start3A_73] : memref<1920xf32, #tpu.memory_space<vmem>> -> memref<64xf32, #tpu.memory_space<vmem>>
        tpu.enqueue_dma source(%dma_start3A_74 : memref<64xf32, #tpu.memory_space<vmem>>) target(%dma_start3A_72 : memref<64xf32, #tpu.memory_space<vmem_shared>>) target_semaphore(%run_scoped3A_64 : memref<!tpu.dma_semaphore, #tpu.memory_space<semaphore_mem>>)
        %dma_wait3A_75 = arith.constant 640 : i32
        %dma_wait3A_76 = tpu.memref_slice %arg6[%dma_wait3A_75] : memref<1920xf32, #tpu.memory_space<vmem>> -> memref<64xf32, #tpu.memory_space<vmem>>
        %dma_wait3A_77 = arith.constant 0 : i32
        %dma_wait3A_78 = tpu.memref_slice %arg5[%run_scoped3A_44, %dma_wait3A_77] : memref<30x64xf32, #tpu.memory_space<vmem_shared>> -> memref<1x64xf32, #tpu.memory_space<vmem_shared>>
        %dma_wait3A_79 = tpu.memref_squeeze %dma_wait3A_78 : memref<1x64xf32, #tpu.memory_space<vmem_shared>> -> memref<64xf32, #tpu.memory_space<vmem_shared>>
        %dma_wait3A_80 = arith.constant 0 : i32
        %dma_wait3A_81 = tpu.memref_slice %arg5[%run_scoped3A_44, %dma_wait3A_80] : memref<30x64xf32, #tpu.memory_space<vmem_shared>> -> memref<1x64xf32, #tpu.memory_space<vmem_shared>>
        %dma_wait3A_82 = tpu.memref_squeeze %dma_wait3A_81 : memref<1x64xf32, #tpu.memory_space<vmem_shared>> -> memref<64xf32, #tpu.memory_space<vmem_shared>>
        %dma_wait3A_83 = arith.constant 640 : i32
        %dma_wait3A_84 = tpu.memref_slice %arg6[%dma_wait3A_83] : memref<1920xf32, #tpu.memory_space<vmem>> -> memref<64xf32, #tpu.memory_space<vmem>>
        tpu.wait_dma2 semaphore(%run_scoped3A_64 : memref<!tpu.dma_semaphore, #tpu.memory_space<semaphore_mem>>) src(%dma_wait3A_84 : memref<64xf32, #tpu.memory_space<vmem>>) dst(%dma_wait3A_82 : memref<64xf32, #tpu.memory_space<vmem_shared>>)
        tpu.yield
      }) : () -> ()
      %run_scoped3A_45 = arith.constant 11 : i32
      "tpu.region"() ({
        %run_scoped3A_64 = tpu.sem_alloc : memref<!tpu.dma_semaphore, #tpu.memory_space<semaphore_mem>>
        %dma_start3A_65 = arith.constant 704 : i32
        %dma_start3A_66 = tpu.memref_slice %arg6[%dma_start3A_65] : memref<1920xf32, #tpu.memory_space<vmem>> -> memref<64xf32, #tpu.memory_space<vmem>>
        %dma_start3A_67 = arith.constant 0 : i32
        %dma_start3A_68 = tpu.memref_slice %arg5[%run_scoped3A_45, %dma_start3A_67] : memref<30x64xf32, #tpu.memory_space<vmem_shared>> -> memref<1x64xf32, #tpu.memory_space<vmem_shared>>
        %dma_start3A_69 = tpu.memref_squeeze %dma_start3A_68 : memref<1x64xf32, #tpu.memory_space<vmem_shared>> -> memref<64xf32, #tpu.memory_space<vmem_shared>>
        %dma_start3A_70 = arith.constant 0 : i32
        %dma_start3A_71 = tpu.memref_slice %arg5[%run_scoped3A_45, %dma_start3A_70] : memref<30x64xf32, #tpu.memory_space<vmem_shared>> -> memref<1x64xf32, #tpu.memory_space<vmem_shared>>
        %dma_start3A_72 = tpu.memref_squeeze %dma_start3A_71 : memref<1x64xf32, #tpu.memory_space<vmem_shared>> -> memref<64xf32, #tpu.memory_space<vmem_shared>>
        %dma_start3A_73 = arith.constant 704 : i32
        %dma_start3A_74 = tpu.memref_slice %arg6[%dma_start3A_73] : memref<1920xf32, #tpu.memory_space<vmem>> -> memref<64xf32, #tpu.memory_space<vmem>>
        tpu.enqueue_dma source(%dma_start3A_74 : memref<64xf32, #tpu.memory_space<vmem>>) target(%dma_start3A_72 : memref<64xf32, #tpu.memory_space<vmem_shared>>) target_semaphore(%run_scoped3A_64 : memref<!tpu.dma_semaphore, #tpu.memory_space<semaphore_mem>>)
        %dma_wait3A_75 = arith.constant 704 : i32
        %dma_wait3A_76 = tpu.memref_slice %arg6[%dma_wait3A_75] : memref<1920xf32, #tpu.memory_space<vmem>> -> memref<64xf32, #tpu.memory_space<vmem>>
        %dma_wait3A_77 = arith.constant 0 : i32
        %dma_wait3A_78 = tpu.memref_slice %arg5[%run_scoped3A_45, %dma_wait3A_77] : memref<30x64xf32, #tpu.memory_space<vmem_shared>> -> memref<1x64xf32, #tpu.memory_space<vmem_shared>>
        %dma_wait3A_79 = tpu.memref_squeeze %dma_wait3A_78 : memref<1x64xf32, #tpu.memory_space<vmem_shared>> -> memref<64xf32, #tpu.memory_space<vmem_shared>>
        %dma_wait3A_80 = arith.constant 0 : i32
        %dma_wait3A_81 = tpu.memref_slice %arg5[%run_scoped3A_45, %dma_wait3A_80] : memref<30x64xf32, #tpu.memory_space<vmem_shared>> -> memref<1x64xf32, #tpu.memory_space<vmem_shared>>
        %dma_wait3A_82 = tpu.memref_squeeze %dma_wait3A_81 : memref<1x64xf32, #tpu.memory_space<vmem_shared>> -> memref<64xf32, #tpu.memory_space<vmem_shared>>
        %dma_wait3A_83 = arith.constant 704 : i32
        %dma_wait3A_84 = tpu.memref_slice %arg6[%dma_wait3A_83] : memref<1920xf32, #tpu.memory_space<vmem>> -> memref<64xf32, #tpu.memory_space<vmem>>
        tpu.wait_dma2 semaphore(%run_scoped3A_64 : memref<!tpu.dma_semaphore, #tpu.memory_space<semaphore_mem>>) src(%dma_wait3A_84 : memref<64xf32, #tpu.memory_space<vmem>>) dst(%dma_wait3A_82 : memref<64xf32, #tpu.memory_space<vmem_shared>>)
        tpu.yield
      }) : () -> ()
      %run_scoped3A_46 = arith.constant 12 : i32
      "tpu.region"() ({
        %run_scoped3A_64 = tpu.sem_alloc : memref<!tpu.dma_semaphore, #tpu.memory_space<semaphore_mem>>
        %dma_start3A_65 = arith.constant 768 : i32
        %dma_start3A_66 = tpu.memref_slice %arg6[%dma_start3A_65] : memref<1920xf32, #tpu.memory_space<vmem>> -> memref<64xf32, #tpu.memory_space<vmem>>
        %dma_start3A_67 = arith.constant 0 : i32
        %dma_start3A_68 = tpu.memref_slice %arg5[%run_scoped3A_46, %dma_start3A_67] : memref<30x64xf32, #tpu.memory_space<vmem_shared>> -> memref<1x64xf32, #tpu.memory_space<vmem_shared>>
        %dma_start3A_69 = tpu.memref_squeeze %dma_start3A_68 : memref<1x64xf32, #tpu.memory_space<vmem_shared>> -> memref<64xf32, #tpu.memory_space<vmem_shared>>
        %dma_start3A_70 = arith.constant 0 : i32
        %dma_start3A_71 = tpu.memref_slice %arg5[%run_scoped3A_46, %dma_start3A_70] : memref<30x64xf32, #tpu.memory_space<vmem_shared>> -> memref<1x64xf32, #tpu.memory_space<vmem_shared>>
        %dma_start3A_72 = tpu.memref_squeeze %dma_start3A_71 : memref<1x64xf32, #tpu.memory_space<vmem_shared>> -> memref<64xf32, #tpu.memory_space<vmem_shared>>
        %dma_start3A_73 = arith.constant 768 : i32
        %dma_start3A_74 = tpu.memref_slice %arg6[%dma_start3A_73] : memref<1920xf32, #tpu.memory_space<vmem>> -> memref<64xf32, #tpu.memory_space<vmem>>
        tpu.enqueue_dma source(%dma_start3A_74 : memref<64xf32, #tpu.memory_space<vmem>>) target(%dma_start3A_72 : memref<64xf32, #tpu.memory_space<vmem_shared>>) target_semaphore(%run_scoped3A_64 : memref<!tpu.dma_semaphore, #tpu.memory_space<semaphore_mem>>)
        %dma_wait3A_75 = arith.constant 768 : i32
        %dma_wait3A_76 = tpu.memref_slice %arg6[%dma_wait3A_75] : memref<1920xf32, #tpu.memory_space<vmem>> -> memref<64xf32, #tpu.memory_space<vmem>>
        %dma_wait3A_77 = arith.constant 0 : i32
        %dma_wait3A_78 = tpu.memref_slice %arg5[%run_scoped3A_46, %dma_wait3A_77] : memref<30x64xf32, #tpu.memory_space<vmem_shared>> -> memref<1x64xf32, #tpu.memory_space<vmem_shared>>
        %dma_wait3A_79 = tpu.memref_squeeze %dma_wait3A_78 : memref<1x64xf32, #tpu.memory_space<vmem_shared>> -> memref<64xf32, #tpu.memory_space<vmem_shared>>
        %dma_wait3A_80 = arith.constant 0 : i32
        %dma_wait3A_81 = tpu.memref_slice %arg5[%run_scoped3A_46, %dma_wait3A_80] : memref<30x64xf32, #tpu.memory_space<vmem_shared>> -> memref<1x64xf32, #tpu.memory_space<vmem_shared>>
        %dma_wait3A_82 = tpu.memref_squeeze %dma_wait3A_81 : memref<1x64xf32, #tpu.memory_space<vmem_shared>> -> memref<64xf32, #tpu.memory_space<vmem_shared>>
        %dma_wait3A_83 = arith.constant 768 : i32
        %dma_wait3A_84 = tpu.memref_slice %arg6[%dma_wait3A_83] : memref<1920xf32, #tpu.memory_space<vmem>> -> memref<64xf32, #tpu.memory_space<vmem>>
        tpu.wait_dma2 semaphore(%run_scoped3A_64 : memref<!tpu.dma_semaphore, #tpu.memory_space<semaphore_mem>>) src(%dma_wait3A_84 : memref<64xf32, #tpu.memory_space<vmem>>) dst(%dma_wait3A_82 : memref<64xf32, #tpu.memory_space<vmem_shared>>)
        tpu.yield
      }) : () -> ()
      %run_scoped3A_47 = arith.constant 13 : i32
      "tpu.region"() ({
        %run_scoped3A_64 = tpu.sem_alloc : memref<!tpu.dma_semaphore, #tpu.memory_space<semaphore_mem>>
        %dma_start3A_65 = arith.constant 832 : i32
        %dma_start3A_66 = tpu.memref_slice %arg6[%dma_start3A_65] : memref<1920xf32, #tpu.memory_space<vmem>> -> memref<64xf32, #tpu.memory_space<vmem>>
        %dma_start3A_67 = arith.constant 0 : i32
        %dma_start3A_68 = tpu.memref_slice %arg5[%run_scoped3A_47, %dma_start3A_67] : memref<30x64xf32, #tpu.memory_space<vmem_shared>> -> memref<1x64xf32, #tpu.memory_space<vmem_shared>>
        %dma_start3A_69 = tpu.memref_squeeze %dma_start3A_68 : memref<1x64xf32, #tpu.memory_space<vmem_shared>> -> memref<64xf32, #tpu.memory_space<vmem_shared>>
        %dma_start3A_70 = arith.constant 0 : i32
        %dma_start3A_71 = tpu.memref_slice %arg5[%run_scoped3A_47, %dma_start3A_70] : memref<30x64xf32, #tpu.memory_space<vmem_shared>> -> memref<1x64xf32, #tpu.memory_space<vmem_shared>>
        %dma_start3A_72 = tpu.memref_squeeze %dma_start3A_71 : memref<1x64xf32, #tpu.memory_space<vmem_shared>> -> memref<64xf32, #tpu.memory_space<vmem_shared>>
        %dma_start3A_73 = arith.constant 832 : i32
        %dma_start3A_74 = tpu.memref_slice %arg6[%dma_start3A_73] : memref<1920xf32, #tpu.memory_space<vmem>> -> memref<64xf32, #tpu.memory_space<vmem>>
        tpu.enqueue_dma source(%dma_start3A_74 : memref<64xf32, #tpu.memory_space<vmem>>) target(%dma_start3A_72 : memref<64xf32, #tpu.memory_space<vmem_shared>>) target_semaphore(%run_scoped3A_64 : memref<!tpu.dma_semaphore, #tpu.memory_space<semaphore_mem>>)
        %dma_wait3A_75 = arith.constant 832 : i32
        %dma_wait3A_76 = tpu.memref_slice %arg6[%dma_wait3A_75] : memref<1920xf32, #tpu.memory_space<vmem>> -> memref<64xf32, #tpu.memory_space<vmem>>
        %dma_wait3A_77 = arith.constant 0 : i32
        %dma_wait3A_78 = tpu.memref_slice %arg5[%run_scoped3A_47, %dma_wait3A_77] : memref<30x64xf32, #tpu.memory_space<vmem_shared>> -> memref<1x64xf32, #tpu.memory_space<vmem_shared>>
        %dma_wait3A_79 = tpu.memref_squeeze %dma_wait3A_78 : memref<1x64xf32, #tpu.memory_space<vmem_shared>> -> memref<64xf32, #tpu.memory_space<vmem_shared>>
        %dma_wait3A_80 = arith.constant 0 : i32
        %dma_wait3A_81 = tpu.memref_slice %arg5[%run_scoped3A_47, %dma_wait3A_80] : memref<30x64xf32, #tpu.memory_space<vmem_shared>> -> memref<1x64xf32, #tpu.memory_space<vmem_shared>>
        %dma_wait3A_82 = tpu.memref_squeeze %dma_wait3A_81 : memref<1x64xf32, #tpu.memory_space<vmem_shared>> -> memref<64xf32, #tpu.memory_space<vmem_shared>>
        %dma_wait3A_83 = arith.constant 832 : i32
        %dma_wait3A_84 = tpu.memref_slice %arg6[%dma_wait3A_83] : memref<1920xf32, #tpu.memory_space<vmem>> -> memref<64xf32, #tpu.memory_space<vmem>>
        tpu.wait_dma2 semaphore(%run_scoped3A_64 : memref<!tpu.dma_semaphore, #tpu.memory_space<semaphore_mem>>) src(%dma_wait3A_84 : memref<64xf32, #tpu.memory_space<vmem>>) dst(%dma_wait3A_82 : memref<64xf32, #tpu.memory_space<vmem_shared>>)
        tpu.yield
      }) : () -> ()
      %run_scoped3A_48 = arith.constant 14 : i32
      "tpu.region"() ({
        %run_scoped3A_64 = tpu.sem_alloc : memref<!tpu.dma_semaphore, #tpu.memory_space<semaphore_mem>>
        %dma_start3A_65 = arith.constant 896 : i32
        %dma_start3A_66 = tpu.memref_slice %arg6[%dma_start3A_65] : memref<1920xf32, #tpu.memory_space<vmem>> -> memref<64xf32, #tpu.memory_space<vmem>>
        %dma_start3A_67 = arith.constant 0 : i32
        %dma_start3A_68 = tpu.memref_slice %arg5[%run_scoped3A_48, %dma_start3A_67] : memref<30x64xf32, #tpu.memory_space<vmem_shared>> -> memref<1x64xf32, #tpu.memory_space<vmem_shared>>
        %dma_start3A_69 = tpu.memref_squeeze %dma_start3A_68 : memref<1x64xf32, #tpu.memory_space<vmem_shared>> -> memref<64xf32, #tpu.memory_space<vmem_shared>>
        %dma_start3A_70 = arith.constant 0 : i32
        %dma_start3A_71 = tpu.memref_slice %arg5[%run_scoped3A_48, %dma_start3A_70] : memref<30x64xf32, #tpu.memory_space<vmem_shared>> -> memref<1x64xf32, #tpu.memory_space<vmem_shared>>
        %dma_start3A_72 = tpu.memref_squeeze %dma_start3A_71 : memref<1x64xf32, #tpu.memory_space<vmem_shared>> -> memref<64xf32, #tpu.memory_space<vmem_shared>>
        %dma_start3A_73 = arith.constant 896 : i32
        %dma_start3A_74 = tpu.memref_slice %arg6[%dma_start3A_73] : memref<1920xf32, #tpu.memory_space<vmem>> -> memref<64xf32, #tpu.memory_space<vmem>>
        tpu.enqueue_dma source(%dma_start3A_74 : memref<64xf32, #tpu.memory_space<vmem>>) target(%dma_start3A_72 : memref<64xf32, #tpu.memory_space<vmem_shared>>) target_semaphore(%run_scoped3A_64 : memref<!tpu.dma_semaphore, #tpu.memory_space<semaphore_mem>>)
        %dma_wait3A_75 = arith.constant 896 : i32
        %dma_wait3A_76 = tpu.memref_slice %arg6[%dma_wait3A_75] : memref<1920xf32, #tpu.memory_space<vmem>> -> memref<64xf32, #tpu.memory_space<vmem>>
        %dma_wait3A_77 = arith.constant 0 : i32
        %dma_wait3A_78 = tpu.memref_slice %arg5[%run_scoped3A_48, %dma_wait3A_77] : memref<30x64xf32, #tpu.memory_space<vmem_shared>> -> memref<1x64xf32, #tpu.memory_space<vmem_shared>>
        %dma_wait3A_79 = tpu.memref_squeeze %dma_wait3A_78 : memref<1x64xf32, #tpu.memory_space<vmem_shared>> -> memref<64xf32, #tpu.memory_space<vmem_shared>>
        %dma_wait3A_80 = arith.constant 0 : i32
        %dma_wait3A_81 = tpu.memref_slice %arg5[%run_scoped3A_48, %dma_wait3A_80] : memref<30x64xf32, #tpu.memory_space<vmem_shared>> -> memref<1x64xf32, #tpu.memory_space<vmem_shared>>
        %dma_wait3A_82 = tpu.memref_squeeze %dma_wait3A_81 : memref<1x64xf32, #tpu.memory_space<vmem_shared>> -> memref<64xf32, #tpu.memory_space<vmem_shared>>
        %dma_wait3A_83 = arith.constant 896 : i32
        %dma_wait3A_84 = tpu.memref_slice %arg6[%dma_wait3A_83] : memref<1920xf32, #tpu.memory_space<vmem>> -> memref<64xf32, #tpu.memory_space<vmem>>
        tpu.wait_dma2 semaphore(%run_scoped3A_64 : memref<!tpu.dma_semaphore, #tpu.memory_space<semaphore_mem>>) src(%dma_wait3A_84 : memref<64xf32, #tpu.memory_space<vmem>>) dst(%dma_wait3A_82 : memref<64xf32, #tpu.memory_space<vmem_shared>>)
        tpu.yield
      }) : () -> ()
      %run_scoped3A_49 = arith.constant 15 : i32
      "tpu.region"() ({
        %run_scoped3A_64 = tpu.sem_alloc : memref<!tpu.dma_semaphore, #tpu.memory_space<semaphore_mem>>
        %dma_start3A_65 = arith.constant 960 : i32
        %dma_start3A_66 = tpu.memref_slice %arg6[%dma_start3A_65] : memref<1920xf32, #tpu.memory_space<vmem>> -> memref<64xf32, #tpu.memory_space<vmem>>
        %dma_start3A_67 = arith.constant 0 : i32
        %dma_start3A_68 = tpu.memref_slice %arg5[%run_scoped3A_49, %dma_start3A_67] : memref<30x64xf32, #tpu.memory_space<vmem_shared>> -> memref<1x64xf32, #tpu.memory_space<vmem_shared>>
        %dma_start3A_69 = tpu.memref_squeeze %dma_start3A_68 : memref<1x64xf32, #tpu.memory_space<vmem_shared>> -> memref<64xf32, #tpu.memory_space<vmem_shared>>
        %dma_start3A_70 = arith.constant 0 : i32
        %dma_start3A_71 = tpu.memref_slice %arg5[%run_scoped3A_49, %dma_start3A_70] : memref<30x64xf32, #tpu.memory_space<vmem_shared>> -> memref<1x64xf32, #tpu.memory_space<vmem_shared>>
        %dma_start3A_72 = tpu.memref_squeeze %dma_start3A_71 : memref<1x64xf32, #tpu.memory_space<vmem_shared>> -> memref<64xf32, #tpu.memory_space<vmem_shared>>
        %dma_start3A_73 = arith.constant 960 : i32
        %dma_start3A_74 = tpu.memref_slice %arg6[%dma_start3A_73] : memref<1920xf32, #tpu.memory_space<vmem>> -> memref<64xf32, #tpu.memory_space<vmem>>
        tpu.enqueue_dma source(%dma_start3A_74 : memref<64xf32, #tpu.memory_space<vmem>>) target(%dma_start3A_72 : memref<64xf32, #tpu.memory_space<vmem_shared>>) target_semaphore(%run_scoped3A_64 : memref<!tpu.dma_semaphore, #tpu.memory_space<semaphore_mem>>)
        %dma_wait3A_75 = arith.constant 960 : i32
        %dma_wait3A_76 = tpu.memref_slice %arg6[%dma_wait3A_75] : memref<1920xf32, #tpu.memory_space<vmem>> -> memref<64xf32, #tpu.memory_space<vmem>>
        %dma_wait3A_77 = arith.constant 0 : i32
        %dma_wait3A_78 = tpu.memref_slice %arg5[%run_scoped3A_49, %dma_wait3A_77] : memref<30x64xf32, #tpu.memory_space<vmem_shared>> -> memref<1x64xf32, #tpu.memory_space<vmem_shared>>
        %dma_wait3A_79 = tpu.memref_squeeze %dma_wait3A_78 : memref<1x64xf32, #tpu.memory_space<vmem_shared>> -> memref<64xf32, #tpu.memory_space<vmem_shared>>
        %dma_wait3A_80 = arith.constant 0 : i32
        %dma_wait3A_81 = tpu.memref_slice %arg5[%run_scoped3A_49, %dma_wait3A_80] : memref<30x64xf32, #tpu.memory_space<vmem_shared>> -> memref<1x64xf32, #tpu.memory_space<vmem_shared>>
        %dma_wait3A_82 = tpu.memref_squeeze %dma_wait3A_81 : memref<1x64xf32, #tpu.memory_space<vmem_shared>> -> memref<64xf32, #tpu.memory_space<vmem_shared>>
        %dma_wait3A_83 = arith.constant 960 : i32
        %dma_wait3A_84 = tpu.memref_slice %arg6[%dma_wait3A_83] : memref<1920xf32, #tpu.memory_space<vmem>> -> memref<64xf32, #tpu.memory_space<vmem>>
        tpu.wait_dma2 semaphore(%run_scoped3A_64 : memref<!tpu.dma_semaphore, #tpu.memory_space<semaphore_mem>>) src(%dma_wait3A_84 : memref<64xf32, #tpu.memory_space<vmem>>) dst(%dma_wait3A_82 : memref<64xf32, #tpu.memory_space<vmem_shared>>)
        tpu.yield
      }) : () -> ()
      %run_scoped3A_50 = arith.constant 16 : i32
      "tpu.region"() ({
        %run_scoped3A_64 = tpu.sem_alloc : memref<!tpu.dma_semaphore, #tpu.memory_space<semaphore_mem>>
        %dma_start3A_65 = arith.constant 1024 : i32
        %dma_start3A_66 = tpu.memref_slice %arg6[%dma_start3A_65] : memref<1920xf32, #tpu.memory_space<vmem>> -> memref<64xf32, #tpu.memory_space<vmem>>
        %dma_start3A_67 = arith.constant 0 : i32
        %dma_start3A_68 = tpu.memref_slice %arg5[%run_scoped3A_50, %dma_start3A_67] : memref<30x64xf32, #tpu.memory_space<vmem_shared>> -> memref<1x64xf32, #tpu.memory_space<vmem_shared>>
        %dma_start3A_69 = tpu.memref_squeeze %dma_start3A_68 : memref<1x64xf32, #tpu.memory_space<vmem_shared>> -> memref<64xf32, #tpu.memory_space<vmem_shared>>
        %dma_start3A_70 = arith.constant 0 : i32
        %dma_start3A_71 = tpu.memref_slice %arg5[%run_scoped3A_50, %dma_start3A_70] : memref<30x64xf32, #tpu.memory_space<vmem_shared>> -> memref<1x64xf32, #tpu.memory_space<vmem_shared>>
        %dma_start3A_72 = tpu.memref_squeeze %dma_start3A_71 : memref<1x64xf32, #tpu.memory_space<vmem_shared>> -> memref<64xf32, #tpu.memory_space<vmem_shared>>
        %dma_start3A_73 = arith.constant 1024 : i32
        %dma_start3A_74 = tpu.memref_slice %arg6[%dma_start3A_73] : memref<1920xf32, #tpu.memory_space<vmem>> -> memref<64xf32, #tpu.memory_space<vmem>>
        tpu.enqueue_dma source(%dma_start3A_74 : memref<64xf32, #tpu.memory_space<vmem>>) target(%dma_start3A_72 : memref<64xf32, #tpu.memory_space<vmem_shared>>) target_semaphore(%run_scoped3A_64 : memref<!tpu.dma_semaphore, #tpu.memory_space<semaphore_mem>>)
        %dma_wait3A_75 = arith.constant 1024 : i32
        %dma_wait3A_76 = tpu.memref_slice %arg6[%dma_wait3A_75] : memref<1920xf32, #tpu.memory_space<vmem>> -> memref<64xf32, #tpu.memory_space<vmem>>
        %dma_wait3A_77 = arith.constant 0 : i32
        %dma_wait3A_78 = tpu.memref_slice %arg5[%run_scoped3A_50, %dma_wait3A_77] : memref<30x64xf32, #tpu.memory_space<vmem_shared>> -> memref<1x64xf32, #tpu.memory_space<vmem_shared>>
        %dma_wait3A_79 = tpu.memref_squeeze %dma_wait3A_78 : memref<1x64xf32, #tpu.memory_space<vmem_shared>> -> memref<64xf32, #tpu.memory_space<vmem_shared>>
        %dma_wait3A_80 = arith.constant 0 : i32
        %dma_wait3A_81 = tpu.memref_slice %arg5[%run_scoped3A_50, %dma_wait3A_80] : memref<30x64xf32, #tpu.memory_space<vmem_shared>> -> memref<1x64xf32, #tpu.memory_space<vmem_shared>>
        %dma_wait3A_82 = tpu.memref_squeeze %dma_wait3A_81 : memref<1x64xf32, #tpu.memory_space<vmem_shared>> -> memref<64xf32, #tpu.memory_space<vmem_shared>>
        %dma_wait3A_83 = arith.constant 1024 : i32
        %dma_wait3A_84 = tpu.memref_slice %arg6[%dma_wait3A_83] : memref<1920xf32, #tpu.memory_space<vmem>> -> memref<64xf32, #tpu.memory_space<vmem>>
        tpu.wait_dma2 semaphore(%run_scoped3A_64 : memref<!tpu.dma_semaphore, #tpu.memory_space<semaphore_mem>>) src(%dma_wait3A_84 : memref<64xf32, #tpu.memory_space<vmem>>) dst(%dma_wait3A_82 : memref<64xf32, #tpu.memory_space<vmem_shared>>)
        tpu.yield
      }) : () -> ()
      %run_scoped3A_51 = arith.constant 17 : i32
      "tpu.region"() ({
        %run_scoped3A_64 = tpu.sem_alloc : memref<!tpu.dma_semaphore, #tpu.memory_space<semaphore_mem>>
        %dma_start3A_65 = arith.constant 1088 : i32
        %dma_start3A_66 = tpu.memref_slice %arg6[%dma_start3A_65] : memref<1920xf32, #tpu.memory_space<vmem>> -> memref<64xf32, #tpu.memory_space<vmem>>
        %dma_start3A_67 = arith.constant 0 : i32
        %dma_start3A_68 = tpu.memref_slice %arg5[%run_scoped3A_51, %dma_start3A_67] : memref<30x64xf32, #tpu.memory_space<vmem_shared>> -> memref<1x64xf32, #tpu.memory_space<vmem_shared>>
        %dma_start3A_69 = tpu.memref_squeeze %dma_start3A_68 : memref<1x64xf32, #tpu.memory_space<vmem_shared>> -> memref<64xf32, #tpu.memory_space<vmem_shared>>
        %dma_start3A_70 = arith.constant 0 : i32
        %dma_start3A_71 = tpu.memref_slice %arg5[%run_scoped3A_51, %dma_start3A_70] : memref<30x64xf32, #tpu.memory_space<vmem_shared>> -> memref<1x64xf32, #tpu.memory_space<vmem_shared>>
        %dma_start3A_72 = tpu.memref_squeeze %dma_start3A_71 : memref<1x64xf32, #tpu.memory_space<vmem_shared>> -> memref<64xf32, #tpu.memory_space<vmem_shared>>
        %dma_start3A_73 = arith.constant 1088 : i32
        %dma_start3A_74 = tpu.memref_slice %arg6[%dma_start3A_73] : memref<1920xf32, #tpu.memory_space<vmem>> -> memref<64xf32, #tpu.memory_space<vmem>>
        tpu.enqueue_dma source(%dma_start3A_74 : memref<64xf32, #tpu.memory_space<vmem>>) target(%dma_start3A_72 : memref<64xf32, #tpu.memory_space<vmem_shared>>) target_semaphore(%run_scoped3A_64 : memref<!tpu.dma_semaphore, #tpu.memory_space<semaphore_mem>>)
        %dma_wait3A_75 = arith.constant 1088 : i32
        %dma_wait3A_76 = tpu.memref_slice %arg6[%dma_wait3A_75] : memref<1920xf32, #tpu.memory_space<vmem>> -> memref<64xf32, #tpu.memory_space<vmem>>
        %dma_wait3A_77 = arith.constant 0 : i32
        %dma_wait3A_78 = tpu.memref_slice %arg5[%run_scoped3A_51, %dma_wait3A_77] : memref<30x64xf32, #tpu.memory_space<vmem_shared>> -> memref<1x64xf32, #tpu.memory_space<vmem_shared>>
        %dma_wait3A_79 = tpu.memref_squeeze %dma_wait3A_78 : memref<1x64xf32, #tpu.memory_space<vmem_shared>> -> memref<64xf32, #tpu.memory_space<vmem_shared>>
        %dma_wait3A_80 = arith.constant 0 : i32
        %dma_wait3A_81 = tpu.memref_slice %arg5[%run_scoped3A_51, %dma_wait3A_80] : memref<30x64xf32, #tpu.memory_space<vmem_shared>> -> memref<1x64xf32, #tpu.memory_space<vmem_shared>>
        %dma_wait3A_82 = tpu.memref_squeeze %dma_wait3A_81 : memref<1x64xf32, #tpu.memory_space<vmem_shared>> -> memref<64xf32, #tpu.memory_space<vmem_shared>>
        %dma_wait3A_83 = arith.constant 1088 : i32
        %dma_wait3A_84 = tpu.memref_slice %arg6[%dma_wait3A_83] : memref<1920xf32, #tpu.memory_space<vmem>> -> memref<64xf32, #tpu.memory_space<vmem>>
        tpu.wait_dma2 semaphore(%run_scoped3A_64 : memref<!tpu.dma_semaphore, #tpu.memory_space<semaphore_mem>>) src(%dma_wait3A_84 : memref<64xf32, #tpu.memory_space<vmem>>) dst(%dma_wait3A_82 : memref<64xf32, #tpu.memory_space<vmem_shared>>)
        tpu.yield
      }) : () -> ()
      %run_scoped3A_52 = arith.constant 18 : i32
      "tpu.region"() ({
        %run_scoped3A_64 = tpu.sem_alloc : memref<!tpu.dma_semaphore, #tpu.memory_space<semaphore_mem>>
        %dma_start3A_65 = arith.constant 1152 : i32
        %dma_start3A_66 = tpu.memref_slice %arg6[%dma_start3A_65] : memref<1920xf32, #tpu.memory_space<vmem>> -> memref<64xf32, #tpu.memory_space<vmem>>
        %dma_start3A_67 = arith.constant 0 : i32
        %dma_start3A_68 = tpu.memref_slice %arg5[%run_scoped3A_52, %dma_start3A_67] : memref<30x64xf32, #tpu.memory_space<vmem_shared>> -> memref<1x64xf32, #tpu.memory_space<vmem_shared>>
        %dma_start3A_69 = tpu.memref_squeeze %dma_start3A_68 : memref<1x64xf32, #tpu.memory_space<vmem_shared>> -> memref<64xf32, #tpu.memory_space<vmem_shared>>
        %dma_start3A_70 = arith.constant 0 : i32
        %dma_start3A_71 = tpu.memref_slice %arg5[%run_scoped3A_52, %dma_start3A_70] : memref<30x64xf32, #tpu.memory_space<vmem_shared>> -> memref<1x64xf32, #tpu.memory_space<vmem_shared>>
        %dma_start3A_72 = tpu.memref_squeeze %dma_start3A_71 : memref<1x64xf32, #tpu.memory_space<vmem_shared>> -> memref<64xf32, #tpu.memory_space<vmem_shared>>
        %dma_start3A_73 = arith.constant 1152 : i32
        %dma_start3A_74 = tpu.memref_slice %arg6[%dma_start3A_73] : memref<1920xf32, #tpu.memory_space<vmem>> -> memref<64xf32, #tpu.memory_space<vmem>>
        tpu.enqueue_dma source(%dma_start3A_74 : memref<64xf32, #tpu.memory_space<vmem>>) target(%dma_start3A_72 : memref<64xf32, #tpu.memory_space<vmem_shared>>) target_semaphore(%run_scoped3A_64 : memref<!tpu.dma_semaphore, #tpu.memory_space<semaphore_mem>>)
        %dma_wait3A_75 = arith.constant 1152 : i32
        %dma_wait3A_76 = tpu.memref_slice %arg6[%dma_wait3A_75] : memref<1920xf32, #tpu.memory_space<vmem>> -> memref<64xf32, #tpu.memory_space<vmem>>
        %dma_wait3A_77 = arith.constant 0 : i32
        %dma_wait3A_78 = tpu.memref_slice %arg5[%run_scoped3A_52, %dma_wait3A_77] : memref<30x64xf32, #tpu.memory_space<vmem_shared>> -> memref<1x64xf32, #tpu.memory_space<vmem_shared>>
        %dma_wait3A_79 = tpu.memref_squeeze %dma_wait3A_78 : memref<1x64xf32, #tpu.memory_space<vmem_shared>> -> memref<64xf32, #tpu.memory_space<vmem_shared>>
        %dma_wait3A_80 = arith.constant 0 : i32
        %dma_wait3A_81 = tpu.memref_slice %arg5[%run_scoped3A_52, %dma_wait3A_80] : memref<30x64xf32, #tpu.memory_space<vmem_shared>> -> memref<1x64xf32, #tpu.memory_space<vmem_shared>>
        %dma_wait3A_82 = tpu.memref_squeeze %dma_wait3A_81 : memref<1x64xf32, #tpu.memory_space<vmem_shared>> -> memref<64xf32, #tpu.memory_space<vmem_shared>>
        %dma_wait3A_83 = arith.constant 1152 : i32
        %dma_wait3A_84 = tpu.memref_slice %arg6[%dma_wait3A_83] : memref<1920xf32, #tpu.memory_space<vmem>> -> memref<64xf32, #tpu.memory_space<vmem>>
        tpu.wait_dma2 semaphore(%run_scoped3A_64 : memref<!tpu.dma_semaphore, #tpu.memory_space<semaphore_mem>>) src(%dma_wait3A_84 : memref<64xf32, #tpu.memory_space<vmem>>) dst(%dma_wait3A_82 : memref<64xf32, #tpu.memory_space<vmem_shared>>)
        tpu.yield
      }) : () -> ()
      %run_scoped3A_53 = arith.constant 19 : i32
      "tpu.region"() ({
        %run_scoped3A_64 = tpu.sem_alloc : memref<!tpu.dma_semaphore, #tpu.memory_space<semaphore_mem>>
        %dma_start3A_65 = arith.constant 1216 : i32
        %dma_start3A_66 = tpu.memref_slice %arg6[%dma_start3A_65] : memref<1920xf32, #tpu.memory_space<vmem>> -> memref<64xf32, #tpu.memory_space<vmem>>
        %dma_start3A_67 = arith.constant 0 : i32
        %dma_start3A_68 = tpu.memref_slice %arg5[%run_scoped3A_53, %dma_start3A_67] : memref<30x64xf32, #tpu.memory_space<vmem_shared>> -> memref<1x64xf32, #tpu.memory_space<vmem_shared>>
        %dma_start3A_69 = tpu.memref_squeeze %dma_start3A_68 : memref<1x64xf32, #tpu.memory_space<vmem_shared>> -> memref<64xf32, #tpu.memory_space<vmem_shared>>
        %dma_start3A_70 = arith.constant 0 : i32
        %dma_start3A_71 = tpu.memref_slice %arg5[%run_scoped3A_53, %dma_start3A_70] : memref<30x64xf32, #tpu.memory_space<vmem_shared>> -> memref<1x64xf32, #tpu.memory_space<vmem_shared>>
        %dma_start3A_72 = tpu.memref_squeeze %dma_start3A_71 : memref<1x64xf32, #tpu.memory_space<vmem_shared>> -> memref<64xf32, #tpu.memory_space<vmem_shared>>
        %dma_start3A_73 = arith.constant 1216 : i32
        %dma_start3A_74 = tpu.memref_slice %arg6[%dma_start3A_73] : memref<1920xf32, #tpu.memory_space<vmem>> -> memref<64xf32, #tpu.memory_space<vmem>>
        tpu.enqueue_dma source(%dma_start3A_74 : memref<64xf32, #tpu.memory_space<vmem>>) target(%dma_start3A_72 : memref<64xf32, #tpu.memory_space<vmem_shared>>) target_semaphore(%run_scoped3A_64 : memref<!tpu.dma_semaphore, #tpu.memory_space<semaphore_mem>>)
        %dma_wait3A_75 = arith.constant 1216 : i32
        %dma_wait3A_76 = tpu.memref_slice %arg6[%dma_wait3A_75] : memref<1920xf32, #tpu.memory_space<vmem>> -> memref<64xf32, #tpu.memory_space<vmem>>
        %dma_wait3A_77 = arith.constant 0 : i32
        %dma_wait3A_78 = tpu.memref_slice %arg5[%run_scoped3A_53, %dma_wait3A_77] : memref<30x64xf32, #tpu.memory_space<vmem_shared>> -> memref<1x64xf32, #tpu.memory_space<vmem_shared>>
        %dma_wait3A_79 = tpu.memref_squeeze %dma_wait3A_78 : memref<1x64xf32, #tpu.memory_space<vmem_shared>> -> memref<64xf32, #tpu.memory_space<vmem_shared>>
        %dma_wait3A_80 = arith.constant 0 : i32
        %dma_wait3A_81 = tpu.memref_slice %arg5[%run_scoped3A_53, %dma_wait3A_80] : memref<30x64xf32, #tpu.memory_space<vmem_shared>> -> memref<1x64xf32, #tpu.memory_space<vmem_shared>>
        %dma_wait3A_82 = tpu.memref_squeeze %dma_wait3A_81 : memref<1x64xf32, #tpu.memory_space<vmem_shared>> -> memref<64xf32, #tpu.memory_space<vmem_shared>>
        %dma_wait3A_83 = arith.constant 1216 : i32
        %dma_wait3A_84 = tpu.memref_slice %arg6[%dma_wait3A_83] : memref<1920xf32, #tpu.memory_space<vmem>> -> memref<64xf32, #tpu.memory_space<vmem>>
        tpu.wait_dma2 semaphore(%run_scoped3A_64 : memref<!tpu.dma_semaphore, #tpu.memory_space<semaphore_mem>>) src(%dma_wait3A_84 : memref<64xf32, #tpu.memory_space<vmem>>) dst(%dma_wait3A_82 : memref<64xf32, #tpu.memory_space<vmem_shared>>)
        tpu.yield
      }) : () -> ()
      %run_scoped3A_54 = arith.constant 20 : i32
      "tpu.region"() ({
        %run_scoped3A_64 = tpu.sem_alloc : memref<!tpu.dma_semaphore, #tpu.memory_space<semaphore_mem>>
        %dma_start3A_65 = arith.constant 1280 : i32
        %dma_start3A_66 = tpu.memref_slice %arg6[%dma_start3A_65] : memref<1920xf32, #tpu.memory_space<vmem>> -> memref<64xf32, #tpu.memory_space<vmem>>
        %dma_start3A_67 = arith.constant 0 : i32
        %dma_start3A_68 = tpu.memref_slice %arg5[%run_scoped3A_54, %dma_start3A_67] : memref<30x64xf32, #tpu.memory_space<vmem_shared>> -> memref<1x64xf32, #tpu.memory_space<vmem_shared>>
        %dma_start3A_69 = tpu.memref_squeeze %dma_start3A_68 : memref<1x64xf32, #tpu.memory_space<vmem_shared>> -> memref<64xf32, #tpu.memory_space<vmem_shared>>
        %dma_start3A_70 = arith.constant 0 : i32
        %dma_start3A_71 = tpu.memref_slice %arg5[%run_scoped3A_54, %dma_start3A_70] : memref<30x64xf32, #tpu.memory_space<vmem_shared>> -> memref<1x64xf32, #tpu.memory_space<vmem_shared>>
        %dma_start3A_72 = tpu.memref_squeeze %dma_start3A_71 : memref<1x64xf32, #tpu.memory_space<vmem_shared>> -> memref<64xf32, #tpu.memory_space<vmem_shared>>
        %dma_start3A_73 = arith.constant 1280 : i32
        %dma_start3A_74 = tpu.memref_slice %arg6[%dma_start3A_73] : memref<1920xf32, #tpu.memory_space<vmem>> -> memref<64xf32, #tpu.memory_space<vmem>>
        tpu.enqueue_dma source(%dma_start3A_74 : memref<64xf32, #tpu.memory_space<vmem>>) target(%dma_start3A_72 : memref<64xf32, #tpu.memory_space<vmem_shared>>) target_semaphore(%run_scoped3A_64 : memref<!tpu.dma_semaphore, #tpu.memory_space<semaphore_mem>>)
        %dma_wait3A_75 = arith.constant 1280 : i32
        %dma_wait3A_76 = tpu.memref_slice %arg6[%dma_wait3A_75] : memref<1920xf32, #tpu.memory_space<vmem>> -> memref<64xf32, #tpu.memory_space<vmem>>
        %dma_wait3A_77 = arith.constant 0 : i32
        %dma_wait3A_78 = tpu.memref_slice %arg5[%run_scoped3A_54, %dma_wait3A_77] : memref<30x64xf32, #tpu.memory_space<vmem_shared>> -> memref<1x64xf32, #tpu.memory_space<vmem_shared>>
        %dma_wait3A_79 = tpu.memref_squeeze %dma_wait3A_78 : memref<1x64xf32, #tpu.memory_space<vmem_shared>> -> memref<64xf32, #tpu.memory_space<vmem_shared>>
        %dma_wait3A_80 = arith.constant 0 : i32
        %dma_wait3A_81 = tpu.memref_slice %arg5[%run_scoped3A_54, %dma_wait3A_80] : memref<30x64xf32, #tpu.memory_space<vmem_shared>> -> memref<1x64xf32, #tpu.memory_space<vmem_shared>>
        %dma_wait3A_82 = tpu.memref_squeeze %dma_wait3A_81 : memref<1x64xf32, #tpu.memory_space<vmem_shared>> -> memref<64xf32, #tpu.memory_space<vmem_shared>>
        %dma_wait3A_83 = arith.constant 1280 : i32
        %dma_wait3A_84 = tpu.memref_slice %arg6[%dma_wait3A_83] : memref<1920xf32, #tpu.memory_space<vmem>> -> memref<64xf32, #tpu.memory_space<vmem>>
        tpu.wait_dma2 semaphore(%run_scoped3A_64 : memref<!tpu.dma_semaphore, #tpu.memory_space<semaphore_mem>>) src(%dma_wait3A_84 : memref<64xf32, #tpu.memory_space<vmem>>) dst(%dma_wait3A_82 : memref<64xf32, #tpu.memory_space<vmem_shared>>)
        tpu.yield
      }) : () -> ()
      %run_scoped3A_55 = arith.constant 21 : i32
      "tpu.region"() ({
        %run_scoped3A_64 = tpu.sem_alloc : memref<!tpu.dma_semaphore, #tpu.memory_space<semaphore_mem>>
        %dma_start3A_65 = arith.constant 1344 : i32
        %dma_start3A_66 = tpu.memref_slice %arg6[%dma_start3A_65] : memref<1920xf32, #tpu.memory_space<vmem>> -> memref<64xf32, #tpu.memory_space<vmem>>
        %dma_start3A_67 = arith.constant 0 : i32
        %dma_start3A_68 = tpu.memref_slice %arg5[%run_scoped3A_55, %dma_start3A_67] : memref<30x64xf32, #tpu.memory_space<vmem_shared>> -> memref<1x64xf32, #tpu.memory_space<vmem_shared>>
        %dma_start3A_69 = tpu.memref_squeeze %dma_start3A_68 : memref<1x64xf32, #tpu.memory_space<vmem_shared>> -> memref<64xf32, #tpu.memory_space<vmem_shared>>
        %dma_start3A_70 = arith.constant 0 : i32
        %dma_start3A_71 = tpu.memref_slice %arg5[%run_scoped3A_55, %dma_start3A_70] : memref<30x64xf32, #tpu.memory_space<vmem_shared>> -> memref<1x64xf32, #tpu.memory_space<vmem_shared>>
        %dma_start3A_72 = tpu.memref_squeeze %dma_start3A_71 : memref<1x64xf32, #tpu.memory_space<vmem_shared>> -> memref<64xf32, #tpu.memory_space<vmem_shared>>
        %dma_start3A_73 = arith.constant 1344 : i32
        %dma_start3A_74 = tpu.memref_slice %arg6[%dma_start3A_73] : memref<1920xf32, #tpu.memory_space<vmem>> -> memref<64xf32, #tpu.memory_space<vmem>>
        tpu.enqueue_dma source(%dma_start3A_74 : memref<64xf32, #tpu.memory_space<vmem>>) target(%dma_start3A_72 : memref<64xf32, #tpu.memory_space<vmem_shared>>) target_semaphore(%run_scoped3A_64 : memref<!tpu.dma_semaphore, #tpu.memory_space<semaphore_mem>>)
        %dma_wait3A_75 = arith.constant 1344 : i32
        %dma_wait3A_76 = tpu.memref_slice %arg6[%dma_wait3A_75] : memref<1920xf32, #tpu.memory_space<vmem>> -> memref<64xf32, #tpu.memory_space<vmem>>
        %dma_wait3A_77 = arith.constant 0 : i32
        %dma_wait3A_78 = tpu.memref_slice %arg5[%run_scoped3A_55, %dma_wait3A_77] : memref<30x64xf32, #tpu.memory_space<vmem_shared>> -> memref<1x64xf32, #tpu.memory_space<vmem_shared>>
        %dma_wait3A_79 = tpu.memref_squeeze %dma_wait3A_78 : memref<1x64xf32, #tpu.memory_space<vmem_shared>> -> memref<64xf32, #tpu.memory_space<vmem_shared>>
        %dma_wait3A_80 = arith.constant 0 : i32
        %dma_wait3A_81 = tpu.memref_slice %arg5[%run_scoped3A_55, %dma_wait3A_80] : memref<30x64xf32, #tpu.memory_space<vmem_shared>> -> memref<1x64xf32, #tpu.memory_space<vmem_shared>>
        %dma_wait3A_82 = tpu.memref_squeeze %dma_wait3A_81 : memref<1x64xf32, #tpu.memory_space<vmem_shared>> -> memref<64xf32, #tpu.memory_space<vmem_shared>>
        %dma_wait3A_83 = arith.constant 1344 : i32
        %dma_wait3A_84 = tpu.memref_slice %arg6[%dma_wait3A_83] : memref<1920xf32, #tpu.memory_space<vmem>> -> memref<64xf32, #tpu.memory_space<vmem>>
        tpu.wait_dma2 semaphore(%run_scoped3A_64 : memref<!tpu.dma_semaphore, #tpu.memory_space<semaphore_mem>>) src(%dma_wait3A_84 : memref<64xf32, #tpu.memory_space<vmem>>) dst(%dma_wait3A_82 : memref<64xf32, #tpu.memory_space<vmem_shared>>)
        tpu.yield
      }) : () -> ()
      %run_scoped3A_56 = arith.constant 22 : i32
      "tpu.region"() ({
        %run_scoped3A_64 = tpu.sem_alloc : memref<!tpu.dma_semaphore, #tpu.memory_space<semaphore_mem>>
        %dma_start3A_65 = arith.constant 1408 : i32
        %dma_start3A_66 = tpu.memref_slice %arg6[%dma_start3A_65] : memref<1920xf32, #tpu.memory_space<vmem>> -> memref<64xf32, #tpu.memory_space<vmem>>
        %dma_start3A_67 = arith.constant 0 : i32
        %dma_start3A_68 = tpu.memref_slice %arg5[%run_scoped3A_56, %dma_start3A_67] : memref<30x64xf32, #tpu.memory_space<vmem_shared>> -> memref<1x64xf32, #tpu.memory_space<vmem_shared>>
        %dma_start3A_69 = tpu.memref_squeeze %dma_start3A_68 : memref<1x64xf32, #tpu.memory_space<vmem_shared>> -> memref<64xf32, #tpu.memory_space<vmem_shared>>
        %dma_start3A_70 = arith.constant 0 : i32
        %dma_start3A_71 = tpu.memref_slice %arg5[%run_scoped3A_56, %dma_start3A_70] : memref<30x64xf32, #tpu.memory_space<vmem_shared>> -> memref<1x64xf32, #tpu.memory_space<vmem_shared>>
        %dma_start3A_72 = tpu.memref_squeeze %dma_start3A_71 : memref<1x64xf32, #tpu.memory_space<vmem_shared>> -> memref<64xf32, #tpu.memory_space<vmem_shared>>
        %dma_start3A_73 = arith.constant 1408 : i32
        %dma_start3A_74 = tpu.memref_slice %arg6[%dma_start3A_73] : memref<1920xf32, #tpu.memory_space<vmem>> -> memref<64xf32, #tpu.memory_space<vmem>>
        tpu.enqueue_dma source(%dma_start3A_74 : memref<64xf32, #tpu.memory_space<vmem>>) target(%dma_start3A_72 : memref<64xf32, #tpu.memory_space<vmem_shared>>) target_semaphore(%run_scoped3A_64 : memref<!tpu.dma_semaphore, #tpu.memory_space<semaphore_mem>>)
        %dma_wait3A_75 = arith.constant 1408 : i32
        %dma_wait3A_76 = tpu.memref_slice %arg6[%dma_wait3A_75] : memref<1920xf32, #tpu.memory_space<vmem>> -> memref<64xf32, #tpu.memory_space<vmem>>
        %dma_wait3A_77 = arith.constant 0 : i32
        %dma_wait3A_78 = tpu.memref_slice %arg5[%run_scoped3A_56, %dma_wait3A_77] : memref<30x64xf32, #tpu.memory_space<vmem_shared>> -> memref<1x64xf32, #tpu.memory_space<vmem_shared>>
        %dma_wait3A_79 = tpu.memref_squeeze %dma_wait3A_78 : memref<1x64xf32, #tpu.memory_space<vmem_shared>> -> memref<64xf32, #tpu.memory_space<vmem_shared>>
        %dma_wait3A_80 = arith.constant 0 : i32
        %dma_wait3A_81 = tpu.memref_slice %arg5[%run_scoped3A_56, %dma_wait3A_80] : memref<30x64xf32, #tpu.memory_space<vmem_shared>> -> memref<1x64xf32, #tpu.memory_space<vmem_shared>>
        %dma_wait3A_82 = tpu.memref_squeeze %dma_wait3A_81 : memref<1x64xf32, #tpu.memory_space<vmem_shared>> -> memref<64xf32, #tpu.memory_space<vmem_shared>>
        %dma_wait3A_83 = arith.constant 1408 : i32
        %dma_wait3A_84 = tpu.memref_slice %arg6[%dma_wait3A_83] : memref<1920xf32, #tpu.memory_space<vmem>> -> memref<64xf32, #tpu.memory_space<vmem>>
        tpu.wait_dma2 semaphore(%run_scoped3A_64 : memref<!tpu.dma_semaphore, #tpu.memory_space<semaphore_mem>>) src(%dma_wait3A_84 : memref<64xf32, #tpu.memory_space<vmem>>) dst(%dma_wait3A_82 : memref<64xf32, #tpu.memory_space<vmem_shared>>)
        tpu.yield
      }) : () -> ()
      %run_scoped3A_57 = arith.constant 23 : i32
      "tpu.region"() ({
        %run_scoped3A_64 = tpu.sem_alloc : memref<!tpu.dma_semaphore, #tpu.memory_space<semaphore_mem>>
        %dma_start3A_65 = arith.constant 1472 : i32
        %dma_start3A_66 = tpu.memref_slice %arg6[%dma_start3A_65] : memref<1920xf32, #tpu.memory_space<vmem>> -> memref<64xf32, #tpu.memory_space<vmem>>
        %dma_start3A_67 = arith.constant 0 : i32
        %dma_start3A_68 = tpu.memref_slice %arg5[%run_scoped3A_57, %dma_start3A_67] : memref<30x64xf32, #tpu.memory_space<vmem_shared>> -> memref<1x64xf32, #tpu.memory_space<vmem_shared>>
        %dma_start3A_69 = tpu.memref_squeeze %dma_start3A_68 : memref<1x64xf32, #tpu.memory_space<vmem_shared>> -> memref<64xf32, #tpu.memory_space<vmem_shared>>
        %dma_start3A_70 = arith.constant 0 : i32
        %dma_start3A_71 = tpu.memref_slice %arg5[%run_scoped3A_57, %dma_start3A_70] : memref<30x64xf32, #tpu.memory_space<vmem_shared>> -> memref<1x64xf32, #tpu.memory_space<vmem_shared>>
        %dma_start3A_72 = tpu.memref_squeeze %dma_start3A_71 : memref<1x64xf32, #tpu.memory_space<vmem_shared>> -> memref<64xf32, #tpu.memory_space<vmem_shared>>
        %dma_start3A_73 = arith.constant 1472 : i32
        %dma_start3A_74 = tpu.memref_slice %arg6[%dma_start3A_73] : memref<1920xf32, #tpu.memory_space<vmem>> -> memref<64xf32, #tpu.memory_space<vmem>>
        tpu.enqueue_dma source(%dma_start3A_74 : memref<64xf32, #tpu.memory_space<vmem>>) target(%dma_start3A_72 : memref<64xf32, #tpu.memory_space<vmem_shared>>) target_semaphore(%run_scoped3A_64 : memref<!tpu.dma_semaphore, #tpu.memory_space<semaphore_mem>>)
        %dma_wait3A_75 = arith.constant 1472 : i32
        %dma_wait3A_76 = tpu.memref_slice %arg6[%dma_wait3A_75] : memref<1920xf32, #tpu.memory_space<vmem>> -> memref<64xf32, #tpu.memory_space<vmem>>
        %dma_wait3A_77 = arith.constant 0 : i32
        %dma_wait3A_78 = tpu.memref_slice %arg5[%run_scoped3A_57, %dma_wait3A_77] : memref<30x64xf32, #tpu.memory_space<vmem_shared>> -> memref<1x64xf32, #tpu.memory_space<vmem_shared>>
        %dma_wait3A_79 = tpu.memref_squeeze %dma_wait3A_78 : memref<1x64xf32, #tpu.memory_space<vmem_shared>> -> memref<64xf32, #tpu.memory_space<vmem_shared>>
        %dma_wait3A_80 = arith.constant 0 : i32
        %dma_wait3A_81 = tpu.memref_slice %arg5[%run_scoped3A_57, %dma_wait3A_80] : memref<30x64xf32, #tpu.memory_space<vmem_shared>> -> memref<1x64xf32, #tpu.memory_space<vmem_shared>>
        %dma_wait3A_82 = tpu.memref_squeeze %dma_wait3A_81 : memref<1x64xf32, #tpu.memory_space<vmem_shared>> -> memref<64xf32, #tpu.memory_space<vmem_shared>>
        %dma_wait3A_83 = arith.constant 1472 : i32
        %dma_wait3A_84 = tpu.memref_slice %arg6[%dma_wait3A_83] : memref<1920xf32, #tpu.memory_space<vmem>> -> memref<64xf32, #tpu.memory_space<vmem>>
        tpu.wait_dma2 semaphore(%run_scoped3A_64 : memref<!tpu.dma_semaphore, #tpu.memory_space<semaphore_mem>>) src(%dma_wait3A_84 : memref<64xf32, #tpu.memory_space<vmem>>) dst(%dma_wait3A_82 : memref<64xf32, #tpu.memory_space<vmem_shared>>)
        tpu.yield
      }) : () -> ()
      %run_scoped3A_58 = arith.constant 24 : i32
      "tpu.region"() ({
        %run_scoped3A_64 = tpu.sem_alloc : memref<!tpu.dma_semaphore, #tpu.memory_space<semaphore_mem>>
        %dma_start3A_65 = arith.constant 1536 : i32
        %dma_start3A_66 = tpu.memref_slice %arg6[%dma_start3A_65] : memref<1920xf32, #tpu.memory_space<vmem>> -> memref<64xf32, #tpu.memory_space<vmem>>
        %dma_start3A_67 = arith.constant 0 : i32
        %dma_start3A_68 = tpu.memref_slice %arg5[%run_scoped3A_58, %dma_start3A_67] : memref<30x64xf32, #tpu.memory_space<vmem_shared>> -> memref<1x64xf32, #tpu.memory_space<vmem_shared>>
        %dma_start3A_69 = tpu.memref_squeeze %dma_start3A_68 : memref<1x64xf32, #tpu.memory_space<vmem_shared>> -> memref<64xf32, #tpu.memory_space<vmem_shared>>
        %dma_start3A_70 = arith.constant 0 : i32
        %dma_start3A_71 = tpu.memref_slice %arg5[%run_scoped3A_58, %dma_start3A_70] : memref<30x64xf32, #tpu.memory_space<vmem_shared>> -> memref<1x64xf32, #tpu.memory_space<vmem_shared>>
        %dma_start3A_72 = tpu.memref_squeeze %dma_start3A_71 : memref<1x64xf32, #tpu.memory_space<vmem_shared>> -> memref<64xf32, #tpu.memory_space<vmem_shared>>
        %dma_start3A_73 = arith.constant 1536 : i32
        %dma_start3A_74 = tpu.memref_slice %arg6[%dma_start3A_73] : memref<1920xf32, #tpu.memory_space<vmem>> -> memref<64xf32, #tpu.memory_space<vmem>>
        tpu.enqueue_dma source(%dma_start3A_74 : memref<64xf32, #tpu.memory_space<vmem>>) target(%dma_start3A_72 : memref<64xf32, #tpu.memory_space<vmem_shared>>) target_semaphore(%run_scoped3A_64 : memref<!tpu.dma_semaphore, #tpu.memory_space<semaphore_mem>>)
        %dma_wait3A_75 = arith.constant 1536 : i32
        %dma_wait3A_76 = tpu.memref_slice %arg6[%dma_wait3A_75] : memref<1920xf32, #tpu.memory_space<vmem>> -> memref<64xf32, #tpu.memory_space<vmem>>
        %dma_wait3A_77 = arith.constant 0 : i32
        %dma_wait3A_78 = tpu.memref_slice %arg5[%run_scoped3A_58, %dma_wait3A_77] : memref<30x64xf32, #tpu.memory_space<vmem_shared>> -> memref<1x64xf32, #tpu.memory_space<vmem_shared>>
        %dma_wait3A_79 = tpu.memref_squeeze %dma_wait3A_78 : memref<1x64xf32, #tpu.memory_space<vmem_shared>> -> memref<64xf32, #tpu.memory_space<vmem_shared>>
        %dma_wait3A_80 = arith.constant 0 : i32
        %dma_wait3A_81 = tpu.memref_slice %arg5[%run_scoped3A_58, %dma_wait3A_80] : memref<30x64xf32, #tpu.memory_space<vmem_shared>> -> memref<1x64xf32, #tpu.memory_space<vmem_shared>>
        %dma_wait3A_82 = tpu.memref_squeeze %dma_wait3A_81 : memref<1x64xf32, #tpu.memory_space<vmem_shared>> -> memref<64xf32, #tpu.memory_space<vmem_shared>>
        %dma_wait3A_83 = arith.constant 1536 : i32
        %dma_wait3A_84 = tpu.memref_slice %arg6[%dma_wait3A_83] : memref<1920xf32, #tpu.memory_space<vmem>> -> memref<64xf32, #tpu.memory_space<vmem>>
        tpu.wait_dma2 semaphore(%run_scoped3A_64 : memref<!tpu.dma_semaphore, #tpu.memory_space<semaphore_mem>>) src(%dma_wait3A_84 : memref<64xf32, #tpu.memory_space<vmem>>) dst(%dma_wait3A_82 : memref<64xf32, #tpu.memory_space<vmem_shared>>)
        tpu.yield
      }) : () -> ()
      %run_scoped3A_59 = arith.constant 25 : i32
      "tpu.region"() ({
        %run_scoped3A_64 = tpu.sem_alloc : memref<!tpu.dma_semaphore, #tpu.memory_space<semaphore_mem>>
        %dma_start3A_65 = arith.constant 1600 : i32
        %dma_start3A_66 = tpu.memref_slice %arg6[%dma_start3A_65] : memref<1920xf32, #tpu.memory_space<vmem>> -> memref<64xf32, #tpu.memory_space<vmem>>
        %dma_start3A_67 = arith.constant 0 : i32
        %dma_start3A_68 = tpu.memref_slice %arg5[%run_scoped3A_59, %dma_start3A_67] : memref<30x64xf32, #tpu.memory_space<vmem_shared>> -> memref<1x64xf32, #tpu.memory_space<vmem_shared>>
        %dma_start3A_69 = tpu.memref_squeeze %dma_start3A_68 : memref<1x64xf32, #tpu.memory_space<vmem_shared>> -> memref<64xf32, #tpu.memory_space<vmem_shared>>
        %dma_start3A_70 = arith.constant 0 : i32
        %dma_start3A_71 = tpu.memref_slice %arg5[%run_scoped3A_59, %dma_start3A_70] : memref<30x64xf32, #tpu.memory_space<vmem_shared>> -> memref<1x64xf32, #tpu.memory_space<vmem_shared>>
        %dma_start3A_72 = tpu.memref_squeeze %dma_start3A_71 : memref<1x64xf32, #tpu.memory_space<vmem_shared>> -> memref<64xf32, #tpu.memory_space<vmem_shared>>
        %dma_start3A_73 = arith.constant 1600 : i32
        %dma_start3A_74 = tpu.memref_slice %arg6[%dma_start3A_73] : memref<1920xf32, #tpu.memory_space<vmem>> -> memref<64xf32, #tpu.memory_space<vmem>>
        tpu.enqueue_dma source(%dma_start3A_74 : memref<64xf32, #tpu.memory_space<vmem>>) target(%dma_start3A_72 : memref<64xf32, #tpu.memory_space<vmem_shared>>) target_semaphore(%run_scoped3A_64 : memref<!tpu.dma_semaphore, #tpu.memory_space<semaphore_mem>>)
        %dma_wait3A_75 = arith.constant 1600 : i32
        %dma_wait3A_76 = tpu.memref_slice %arg6[%dma_wait3A_75] : memref<1920xf32, #tpu.memory_space<vmem>> -> memref<64xf32, #tpu.memory_space<vmem>>
        %dma_wait3A_77 = arith.constant 0 : i32
        %dma_wait3A_78 = tpu.memref_slice %arg5[%run_scoped3A_59, %dma_wait3A_77] : memref<30x64xf32, #tpu.memory_space<vmem_shared>> -> memref<1x64xf32, #tpu.memory_space<vmem_shared>>
        %dma_wait3A_79 = tpu.memref_squeeze %dma_wait3A_78 : memref<1x64xf32, #tpu.memory_space<vmem_shared>> -> memref<64xf32, #tpu.memory_space<vmem_shared>>
        %dma_wait3A_80 = arith.constant 0 : i32
        %dma_wait3A_81 = tpu.memref_slice %arg5[%run_scoped3A_59, %dma_wait3A_80] : memref<30x64xf32, #tpu.memory_space<vmem_shared>> -> memref<1x64xf32, #tpu.memory_space<vmem_shared>>
        %dma_wait3A_82 = tpu.memref_squeeze %dma_wait3A_81 : memref<1x64xf32, #tpu.memory_space<vmem_shared>> -> memref<64xf32, #tpu.memory_space<vmem_shared>>
        %dma_wait3A_83 = arith.constant 1600 : i32
        %dma_wait3A_84 = tpu.memref_slice %arg6[%dma_wait3A_83] : memref<1920xf32, #tpu.memory_space<vmem>> -> memref<64xf32, #tpu.memory_space<vmem>>
        tpu.wait_dma2 semaphore(%run_scoped3A_64 : memref<!tpu.dma_semaphore, #tpu.memory_space<semaphore_mem>>) src(%dma_wait3A_84 : memref<64xf32, #tpu.memory_space<vmem>>) dst(%dma_wait3A_82 : memref<64xf32, #tpu.memory_space<vmem_shared>>)
        tpu.yield
      }) : () -> ()
      %run_scoped3A_60 = arith.constant 26 : i32
      "tpu.region"() ({
        %run_scoped3A_64 = tpu.sem_alloc : memref<!tpu.dma_semaphore, #tpu.memory_space<semaphore_mem>>
        %dma_start3A_65 = arith.constant 1664 : i32
        %dma_start3A_66 = tpu.memref_slice %arg6[%dma_start3A_65] : memref<1920xf32, #tpu.memory_space<vmem>> -> memref<64xf32, #tpu.memory_space<vmem>>
        %dma_start3A_67 = arith.constant 0 : i32
        %dma_start3A_68 = tpu.memref_slice %arg5[%run_scoped3A_60, %dma_start3A_67] : memref<30x64xf32, #tpu.memory_space<vmem_shared>> -> memref<1x64xf32, #tpu.memory_space<vmem_shared>>
        %dma_start3A_69 = tpu.memref_squeeze %dma_start3A_68 : memref<1x64xf32, #tpu.memory_space<vmem_shared>> -> memref<64xf32, #tpu.memory_space<vmem_shared>>
        %dma_start3A_70 = arith.constant 0 : i32
        %dma_start3A_71 = tpu.memref_slice %arg5[%run_scoped3A_60, %dma_start3A_70] : memref<30x64xf32, #tpu.memory_space<vmem_shared>> -> memref<1x64xf32, #tpu.memory_space<vmem_shared>>
        %dma_start3A_72 = tpu.memref_squeeze %dma_start3A_71 : memref<1x64xf32, #tpu.memory_space<vmem_shared>> -> memref<64xf32, #tpu.memory_space<vmem_shared>>
        %dma_start3A_73 = arith.constant 1664 : i32
        %dma_start3A_74 = tpu.memref_slice %arg6[%dma_start3A_73] : memref<1920xf32, #tpu.memory_space<vmem>> -> memref<64xf32, #tpu.memory_space<vmem>>
        tpu.enqueue_dma source(%dma_start3A_74 : memref<64xf32, #tpu.memory_space<vmem>>) target(%dma_start3A_72 : memref<64xf32, #tpu.memory_space<vmem_shared>>) target_semaphore(%run_scoped3A_64 : memref<!tpu.dma_semaphore, #tpu.memory_space<semaphore_mem>>)
        %dma_wait3A_75 = arith.constant 1664 : i32
        %dma_wait3A_76 = tpu.memref_slice %arg6[%dma_wait3A_75] : memref<1920xf32, #tpu.memory_space<vmem>> -> memref<64xf32, #tpu.memory_space<vmem>>
        %dma_wait3A_77 = arith.constant 0 : i32
        %dma_wait3A_78 = tpu.memref_slice %arg5[%run_scoped3A_60, %dma_wait3A_77] : memref<30x64xf32, #tpu.memory_space<vmem_shared>> -> memref<1x64xf32, #tpu.memory_space<vmem_shared>>
        %dma_wait3A_79 = tpu.memref_squeeze %dma_wait3A_78 : memref<1x64xf32, #tpu.memory_space<vmem_shared>> -> memref<64xf32, #tpu.memory_space<vmem_shared>>
        %dma_wait3A_80 = arith.constant 0 : i32
        %dma_wait3A_81 = tpu.memref_slice %arg5[%run_scoped3A_60, %dma_wait3A_80] : memref<30x64xf32, #tpu.memory_space<vmem_shared>> -> memref<1x64xf32, #tpu.memory_space<vmem_shared>>
        %dma_wait3A_82 = tpu.memref_squeeze %dma_wait3A_81 : memref<1x64xf32, #tpu.memory_space<vmem_shared>> -> memref<64xf32, #tpu.memory_space<vmem_shared>>
        %dma_wait3A_83 = arith.constant 1664 : i32
        %dma_wait3A_84 = tpu.memref_slice %arg6[%dma_wait3A_83] : memref<1920xf32, #tpu.memory_space<vmem>> -> memref<64xf32, #tpu.memory_space<vmem>>
        tpu.wait_dma2 semaphore(%run_scoped3A_64 : memref<!tpu.dma_semaphore, #tpu.memory_space<semaphore_mem>>) src(%dma_wait3A_84 : memref<64xf32, #tpu.memory_space<vmem>>) dst(%dma_wait3A_82 : memref<64xf32, #tpu.memory_space<vmem_shared>>)
        tpu.yield
      }) : () -> ()
      %run_scoped3A_61 = arith.constant 27 : i32
      "tpu.region"() ({
        %run_scoped3A_64 = tpu.sem_alloc : memref<!tpu.dma_semaphore, #tpu.memory_space<semaphore_mem>>
        %dma_start3A_65 = arith.constant 1728 : i32
        %dma_start3A_66 = tpu.memref_slice %arg6[%dma_start3A_65] : memref<1920xf32, #tpu.memory_space<vmem>> -> memref<64xf32, #tpu.memory_space<vmem>>
        %dma_start3A_67 = arith.constant 0 : i32
        %dma_start3A_68 = tpu.memref_slice %arg5[%run_scoped3A_61, %dma_start3A_67] : memref<30x64xf32, #tpu.memory_space<vmem_shared>> -> memref<1x64xf32, #tpu.memory_space<vmem_shared>>
        %dma_start3A_69 = tpu.memref_squeeze %dma_start3A_68 : memref<1x64xf32, #tpu.memory_space<vmem_shared>> -> memref<64xf32, #tpu.memory_space<vmem_shared>>
        %dma_start3A_70 = arith.constant 0 : i32
        %dma_start3A_71 = tpu.memref_slice %arg5[%run_scoped3A_61, %dma_start3A_70] : memref<30x64xf32, #tpu.memory_space<vmem_shared>> -> memref<1x64xf32, #tpu.memory_space<vmem_shared>>
        %dma_start3A_72 = tpu.memref_squeeze %dma_start3A_71 : memref<1x64xf32, #tpu.memory_space<vmem_shared>> -> memref<64xf32, #tpu.memory_space<vmem_shared>>
        %dma_start3A_73 = arith.constant 1728 : i32
        %dma_start3A_74 = tpu.memref_slice %arg6[%dma_start3A_73] : memref<1920xf32, #tpu.memory_space<vmem>> -> memref<64xf32, #tpu.memory_space<vmem>>
        tpu.enqueue_dma source(%dma_start3A_74 : memref<64xf32, #tpu.memory_space<vmem>>) target(%dma_start3A_72 : memref<64xf32, #tpu.memory_space<vmem_shared>>) target_semaphore(%run_scoped3A_64 : memref<!tpu.dma_semaphore, #tpu.memory_space<semaphore_mem>>)
        %dma_wait3A_75 = arith.constant 1728 : i32
        %dma_wait3A_76 = tpu.memref_slice %arg6[%dma_wait3A_75] : memref<1920xf32, #tpu.memory_space<vmem>> -> memref<64xf32, #tpu.memory_space<vmem>>
        %dma_wait3A_77 = arith.constant 0 : i32
        %dma_wait3A_78 = tpu.memref_slice %arg5[%run_scoped3A_61, %dma_wait3A_77] : memref<30x64xf32, #tpu.memory_space<vmem_shared>> -> memref<1x64xf32, #tpu.memory_space<vmem_shared>>
        %dma_wait3A_79 = tpu.memref_squeeze %dma_wait3A_78 : memref<1x64xf32, #tpu.memory_space<vmem_shared>> -> memref<64xf32, #tpu.memory_space<vmem_shared>>
        %dma_wait3A_80 = arith.constant 0 : i32
        %dma_wait3A_81 = tpu.memref_slice %arg5[%run_scoped3A_61, %dma_wait3A_80] : memref<30x64xf32, #tpu.memory_space<vmem_shared>> -> memref<1x64xf32, #tpu.memory_space<vmem_shared>>
        %dma_wait3A_82 = tpu.memref_squeeze %dma_wait3A_81 : memref<1x64xf32, #tpu.memory_space<vmem_shared>> -> memref<64xf32, #tpu.memory_space<vmem_shared>>
        %dma_wait3A_83 = arith.constant 1728 : i32
        %dma_wait3A_84 = tpu.memref_slice %arg6[%dma_wait3A_83] : memref<1920xf32, #tpu.memory_space<vmem>> -> memref<64xf32, #tpu.memory_space<vmem>>
        tpu.wait_dma2 semaphore(%run_scoped3A_64 : memref<!tpu.dma_semaphore, #tpu.memory_space<semaphore_mem>>) src(%dma_wait3A_84 : memref<64xf32, #tpu.memory_space<vmem>>) dst(%dma_wait3A_82 : memref<64xf32, #tpu.memory_space<vmem_shared>>)
        tpu.yield
      }) : () -> ()
      %run_scoped3A_62 = arith.constant 28 : i32
      "tpu.region"() ({
        %run_scoped3A_64 = tpu.sem_alloc : memref<!tpu.dma_semaphore, #tpu.memory_space<semaphore_mem>>
        %dma_start3A_65 = arith.constant 1792 : i32
        %dma_start3A_66 = tpu.memref_slice %arg6[%dma_start3A_65] : memref<1920xf32, #tpu.memory_space<vmem>> -> memref<64xf32, #tpu.memory_space<vmem>>
        %dma_start3A_67 = arith.constant 0 : i32
        %dma_start3A_68 = tpu.memref_slice %arg5[%run_scoped3A_62, %dma_start3A_67] : memref<30x64xf32, #tpu.memory_space<vmem_shared>> -> memref<1x64xf32, #tpu.memory_space<vmem_shared>>
        %dma_start3A_69 = tpu.memref_squeeze %dma_start3A_68 : memref<1x64xf32, #tpu.memory_space<vmem_shared>> -> memref<64xf32, #tpu.memory_space<vmem_shared>>
        %dma_start3A_70 = arith.constant 0 : i32
        %dma_start3A_71 = tpu.memref_slice %arg5[%run_scoped3A_62, %dma_start3A_70] : memref<30x64xf32, #tpu.memory_space<vmem_shared>> -> memref<1x64xf32, #tpu.memory_space<vmem_shared>>
        %dma_start3A_72 = tpu.memref_squeeze %dma_start3A_71 : memref<1x64xf32, #tpu.memory_space<vmem_shared>> -> memref<64xf32, #tpu.memory_space<vmem_shared>>
        %dma_start3A_73 = arith.constant 1792 : i32
        %dma_start3A_74 = tpu.memref_slice %arg6[%dma_start3A_73] : memref<1920xf32, #tpu.memory_space<vmem>> -> memref<64xf32, #tpu.memory_space<vmem>>
        tpu.enqueue_dma source(%dma_start3A_74 : memref<64xf32, #tpu.memory_space<vmem>>) target(%dma_start3A_72 : memref<64xf32, #tpu.memory_space<vmem_shared>>) target_semaphore(%run_scoped3A_64 : memref<!tpu.dma_semaphore, #tpu.memory_space<semaphore_mem>>)
        %dma_wait3A_75 = arith.constant 1792 : i32
        %dma_wait3A_76 = tpu.memref_slice %arg6[%dma_wait3A_75] : memref<1920xf32, #tpu.memory_space<vmem>> -> memref<64xf32, #tpu.memory_space<vmem>>
        %dma_wait3A_77 = arith.constant 0 : i32
        %dma_wait3A_78 = tpu.memref_slice %arg5[%run_scoped3A_62, %dma_wait3A_77] : memref<30x64xf32, #tpu.memory_space<vmem_shared>> -> memref<1x64xf32, #tpu.memory_space<vmem_shared>>
        %dma_wait3A_79 = tpu.memref_squeeze %dma_wait3A_78 : memref<1x64xf32, #tpu.memory_space<vmem_shared>> -> memref<64xf32, #tpu.memory_space<vmem_shared>>
        %dma_wait3A_80 = arith.constant 0 : i32
        %dma_wait3A_81 = tpu.memref_slice %arg5[%run_scoped3A_62, %dma_wait3A_80] : memref<30x64xf32, #tpu.memory_space<vmem_shared>> -> memref<1x64xf32, #tpu.memory_space<vmem_shared>>
        %dma_wait3A_82 = tpu.memref_squeeze %dma_wait3A_81 : memref<1x64xf32, #tpu.memory_space<vmem_shared>> -> memref<64xf32, #tpu.memory_space<vmem_shared>>
        %dma_wait3A_83 = arith.constant 1792 : i32
        %dma_wait3A_84 = tpu.memref_slice %arg6[%dma_wait3A_83] : memref<1920xf32, #tpu.memory_space<vmem>> -> memref<64xf32, #tpu.memory_space<vmem>>
        tpu.wait_dma2 semaphore(%run_scoped3A_64 : memref<!tpu.dma_semaphore, #tpu.memory_space<semaphore_mem>>) src(%dma_wait3A_84 : memref<64xf32, #tpu.memory_space<vmem>>) dst(%dma_wait3A_82 : memref<64xf32, #tpu.memory_space<vmem_shared>>)
        tpu.yield
      }) : () -> ()
      %run_scoped3A_63 = arith.constant 29 : i32
      "tpu.region"() ({
        %run_scoped3A_64 = tpu.sem_alloc : memref<!tpu.dma_semaphore, #tpu.memory_space<semaphore_mem>>
        %dma_start3A_65 = arith.constant 1856 : i32
        %dma_start3A_66 = tpu.memref_slice %arg6[%dma_start3A_65] : memref<1920xf32, #tpu.memory_space<vmem>> -> memref<64xf32, #tpu.memory_space<vmem>>
        %dma_start3A_67 = arith.constant 0 : i32
        %dma_start3A_68 = tpu.memref_slice %arg5[%run_scoped3A_63, %dma_start3A_67] : memref<30x64xf32, #tpu.memory_space<vmem_shared>> -> memref<1x64xf32, #tpu.memory_space<vmem_shared>>
        %dma_start3A_69 = tpu.memref_squeeze %dma_start3A_68 : memref<1x64xf32, #tpu.memory_space<vmem_shared>> -> memref<64xf32, #tpu.memory_space<vmem_shared>>
        %dma_start3A_70 = arith.constant 0 : i32
        %dma_start3A_71 = tpu.memref_slice %arg5[%run_scoped3A_63, %dma_start3A_70] : memref<30x64xf32, #tpu.memory_space<vmem_shared>> -> memref<1x64xf32, #tpu.memory_space<vmem_shared>>
        %dma_start3A_72 = tpu.memref_squeeze %dma_start3A_71 : memref<1x64xf32, #tpu.memory_space<vmem_shared>> -> memref<64xf32, #tpu.memory_space<vmem_shared>>
        %dma_start3A_73 = arith.constant 1856 : i32
        %dma_start3A_74 = tpu.memref_slice %arg6[%dma_start3A_73] : memref<1920xf32, #tpu.memory_space<vmem>> -> memref<64xf32, #tpu.memory_space<vmem>>
        tpu.enqueue_dma source(%dma_start3A_74 : memref<64xf32, #tpu.memory_space<vmem>>) target(%dma_start3A_72 : memref<64xf32, #tpu.memory_space<vmem_shared>>) target_semaphore(%run_scoped3A_64 : memref<!tpu.dma_semaphore, #tpu.memory_space<semaphore_mem>>)
        %dma_wait3A_75 = arith.constant 1856 : i32
        %dma_wait3A_76 = tpu.memref_slice %arg6[%dma_wait3A_75] : memref<1920xf32, #tpu.memory_space<vmem>> -> memref<64xf32, #tpu.memory_space<vmem>>
        %dma_wait3A_77 = arith.constant 0 : i32
        %dma_wait3A_78 = tpu.memref_slice %arg5[%run_scoped3A_63, %dma_wait3A_77] : memref<30x64xf32, #tpu.memory_space<vmem_shared>> -> memref<1x64xf32, #tpu.memory_space<vmem_shared>>
        %dma_wait3A_79 = tpu.memref_squeeze %dma_wait3A_78 : memref<1x64xf32, #tpu.memory_space<vmem_shared>> -> memref<64xf32, #tpu.memory_space<vmem_shared>>
        %dma_wait3A_80 = arith.constant 0 : i32
        %dma_wait3A_81 = tpu.memref_slice %arg5[%run_scoped3A_63, %dma_wait3A_80] : memref<30x64xf32, #tpu.memory_space<vmem_shared>> -> memref<1x64xf32, #tpu.memory_space<vmem_shared>>
        %dma_wait3A_82 = tpu.memref_squeeze %dma_wait3A_81 : memref<1x64xf32, #tpu.memory_space<vmem_shared>> -> memref<64xf32, #tpu.memory_space<vmem_shared>>
        %dma_wait3A_83 = arith.constant 1856 : i32
        %dma_wait3A_84 = tpu.memref_slice %arg6[%dma_wait3A_83] : memref<1920xf32, #tpu.memory_space<vmem>> -> memref<64xf32, #tpu.memory_space<vmem>>
        tpu.wait_dma2 semaphore(%run_scoped3A_64 : memref<!tpu.dma_semaphore, #tpu.memory_space<semaphore_mem>>) src(%dma_wait3A_84 : memref<64xf32, #tpu.memory_space<vmem>>) dst(%dma_wait3A_82 : memref<64xf32, #tpu.memory_space<vmem_shared>>)
        tpu.yield
      }) : () -> ()
    } else {
    }
    %barrier3A = arith.constant 0 : index
    tpu.barrier barrier_id(%barrier3A)
    %add3A_5 = arith.constant 0 : i32
    %add3A_6 = arith.addi %mul3A_2, %add3A_5 : i32
    %multiple_of3A = tpu.assume_multiple %add3A_6, 16 : i32
    %dma_start3A = tpu.memref_slice %arg2[%multiple_of3A] : memref<819200xi32, #tpu.memory_space<hbm>> -> memref<400xi32, #tpu.memory_space<hbm>>
    %dma_start3A_7 = tpu.memref_slice %arg2[%multiple_of3A] : memref<819200xi32, #tpu.memory_space<hbm>> -> memref<400xi32, #tpu.memory_space<hbm>>
    tpu.enqueue_dma source(%dma_start3A_7 : memref<400xi32, #tpu.memory_space<hbm>>) target(%arg7 : memref<400xi32, #tpu.memory_space<vmem>>) target_semaphore(%arg11 : memref<!tpu.dma_semaphore, #tpu.memory_space<semaphore_mem>>)
    %add3A_8 = arith.constant 400 : i32
    %add3A_9 = arith.addi %mul3A_2, %add3A_8 : i32
    %multiple_of3A_10 = tpu.assume_multiple %add3A_9, 16 : i32
    %dma_start3A_11 = tpu.memref_slice %arg2[%multiple_of3A_10] : memref<819200xi32, #tpu.memory_space<hbm>> -> memref<400xi32, #tpu.memory_space<hbm>>
    %dma_start3A_12 = tpu.memref_slice %arg2[%multiple_of3A_10] : memref<819200xi32, #tpu.memory_space<hbm>> -> memref<400xi32, #tpu.memory_space<hbm>>
    tpu.enqueue_dma source(%dma_start3A_12 : memref<400xi32, #tpu.memory_space<hbm>>) target(%arg8 : memref<400xi32, #tpu.memory_space<vmem>>) target_semaphore(%arg12 : memref<!tpu.dma_semaphore, #tpu.memory_space<semaphore_mem>>)
    %scan3A = arith.constant 0 : i32
    %scan3A_13 = arith.constant 0 : i32
    %scan3A_14 = arith.constant 32 : i32
    %scan3A_15 = arith.addi %scan3A_13, %scan3A_14 : i32
    %scan3A_16 = arith.constant 1 : i32
    scf.for %scan3A_35 = %scan3A_13 to %scan3A_15 step %scan3A_16  : i32 {
      %mul3A_36 = arith.constant 2 : i32
      %mul3A_37 = arith.muli %scan3A_35, %mul3A_36 : i32
      %add3A_38 = arith.constant 0 : i32
      %add3A_39 = arith.addi %mul3A_37, %add3A_38 : i32
      %mul3A_40 = arith.constant 400 : i32
      %mul3A_41 = arith.muli %add3A_39, %mul3A_40 : i32
      %add3A_42 = arith.addi %mul3A_2, %mul3A_41 : i32
      %multiple_of3A_43 = tpu.assume_multiple %add3A_42, 16 : i32
      %dma_wait3A_44 = tpu.memref_slice %arg2[%multiple_of3A_43] : memref<819200xi32, #tpu.memory_space<hbm>> -> memref<400xi32, #tpu.memory_space<hbm>>
      %dma_wait3A_45 = tpu.memref_slice %arg2[%multiple_of3A_43] : memref<819200xi32, #tpu.memory_space<hbm>> -> memref<400xi32, #tpu.memory_space<hbm>>
      tpu.wait_dma2 semaphore(%arg11 : memref<!tpu.dma_semaphore, #tpu.memory_space<semaphore_mem>>) src(%dma_wait3A_45 : memref<400xi32, #tpu.memory_space<hbm>>) dst(%arg7 : memref<400xi32, #tpu.memory_space<vmem>>)
      %add3A_46 = arith.constant 2 : i32
      %add3A_47 = arith.addi %add3A_39, %add3A_46 : i32
      %lt3A = arith.constant 64 : i32
      %lt3A_48 = arith.cmpi slt, %add3A_47, %lt3A : i32
      %convert_element_type3A_49 = arith.extui %lt3A_48 : i1 to i32
      %cond3A_50 = arith.constant 0 : i32
      %cond3A_51 = arith.cmpi ne, %convert_element_type3A_49, %cond3A_50 : i32
      scf.if %cond3A_51 {
        %add3A_102 = arith.constant 2 : i32
        %add3A_103 = arith.addi %add3A_39, %add3A_102 : i32
        %mul3A_104 = arith.constant 400 : i32
        %mul3A_105 = arith.muli %add3A_103, %mul3A_104 : i32
        %add3A_106 = arith.addi %mul3A_2, %mul3A_105 : i32
        %multiple_of3A_107 = tpu.assume_multiple %add3A_106, 16 : i32
        %dma_start3A_108 = tpu.memref_slice %arg2[%multiple_of3A_107] : memref<819200xi32, #tpu.memory_space<hbm>> -> memref<400xi32, #tpu.memory_space<hbm>>
        %dma_start3A_109 = tpu.memref_slice %arg2[%multiple_of3A_107] : memref<819200xi32, #tpu.memory_space<hbm>> -> memref<400xi32, #tpu.memory_space<hbm>>
        tpu.enqueue_dma source(%dma_start3A_109 : memref<400xi32, #tpu.memory_space<hbm>>) target(%arg7 : memref<400xi32, #tpu.memory_space<vmem>>) target_semaphore(%arg11 : memref<!tpu.dma_semaphore, #tpu.memory_space<semaphore_mem>>)
      } else {
      }
      %ge3A = arith.constant 2 : i32
      %ge3A_52 = arith.cmpi sge, %add3A_39, %ge3A : i32
      %convert_element_type3A_53 = arith.extui %ge3A_52 : i1 to i32
      %cond3A_54 = arith.constant 0 : i32
      %cond3A_55 = arith.cmpi ne, %convert_element_type3A_53, %cond3A_54 : i32
      scf.if %cond3A_55 {
        %dma_wait3A_102 = tpu.memref_reshape %arg4 : memref<4096x200x64xf32, #tpu.memory_space<hbm>> -> memref<819200x64xf32, #tpu.memory_space<hbm>>
        %dma_wait3A_103 = arith.constant 0 : i32
        %dma_wait3A_104 = tpu.memref_slice %dma_wait3A_102[%multiple_of3A_43, %dma_wait3A_103] : memref<819200x64xf32, #tpu.memory_space<hbm>> -> memref<400x64xf32, #tpu.memory_space<hbm>>
        %dma_wait3A_105 = tpu.memref_reshape %arg4 : memref<4096x200x64xf32, #tpu.memory_space<hbm>> -> memref<819200x64xf32, #tpu.memory_space<hbm>>
        %dma_wait3A_106 = arith.constant 0 : i32
        %dma_wait3A_107 = tpu.memref_slice %dma_wait3A_105[%multiple_of3A_43, %dma_wait3A_106] : memref<819200x64xf32, #tpu.memory_space<hbm>> -> memref<400x64xf32, #tpu.memory_space<hbm>>
        tpu.wait_dma2 semaphore(%arg14 : memref<!tpu.dma_semaphore, #tpu.memory_space<semaphore_mem>>) src(%arg9 : memref<400x64xf32, #tpu.memory_space<vmem>>) dst(%dma_wait3A_107 : memref<400x64xf32, #tpu.memory_space<hbm>>)
      } else {
      }
      %dma_start3A_56 = arith.constant 0 : i32
      %dma_start3A_57 = arith.constant 0 : i32
      %dma_start3A_58 = tpu.memref_slice %arg5[%dma_start3A_56, %dma_start3A_57] : memref<30x64xf32, #tpu.memory_space<vmem_shared>> -> memref<30x64xf32, #tpu.memory_space<vmem_shared>>
      tpu.enqueue_indirect_dma source(%dma_start3A_58 : memref<30x64xf32, #tpu.memory_space<vmem_shared>>) target(%arg9 : memref<400x64xf32, #tpu.memory_space<vmem>>) offsets(%arg7 : memref<400xi32, #tpu.memory_space<vmem>>) semaphore(%arg13 : memref<!tpu.dma_semaphore, #tpu.memory_space<semaphore_mem>>)
      %dma_wait3A_59 = arith.constant 0 : i32
      %dma_wait3A_60 = arith.constant 0 : i32
      %dma_wait3A_61 = tpu.memref_slice %arg5[%dma_wait3A_59, %dma_wait3A_60] : memref<30x64xf32, #tpu.memory_space<vmem_shared>> -> memref<30x64xf32, #tpu.memory_space<vmem_shared>>
      tpu.wait_indirect_dma semaphore(%arg13 : memref<!tpu.dma_semaphore, #tpu.memory_space<semaphore_mem>>) src(%dma_wait3A_61 : memref<30x64xf32, #tpu.memory_space<vmem_shared>>) dst(%arg9 : memref<400x64xf32, #tpu.memory_space<vmem>>)
      %dma_start3A_62 = tpu.memref_reshape %arg4 : memref<4096x200x64xf32, #tpu.memory_space<hbm>> -> memref<819200x64xf32, #tpu.memory_space<hbm>>
      %dma_start3A_63 = arith.constant 0 : i32
      %dma_start3A_64 = tpu.memref_slice %dma_start3A_62[%multiple_of3A_43, %dma_start3A_63] : memref<819200x64xf32, #tpu.memory_space<hbm>> -> memref<400x64xf32, #tpu.memory_space<hbm>>
      %dma_start3A_65 = tpu.memref_reshape %arg4 : memref<4096x200x64xf32, #tpu.memory_space<hbm>> -> memref<819200x64xf32, #tpu.memory_space<hbm>>
      %dma_start3A_66 = arith.constant 0 : i32
      %dma_start3A_67 = tpu.memref_slice %dma_start3A_65[%multiple_of3A_43, %dma_start3A_66] : memref<819200x64xf32, #tpu.memory_space<hbm>> -> memref<400x64xf32, #tpu.memory_space<hbm>>
      tpu.enqueue_dma source(%arg9 : memref<400x64xf32, #tpu.memory_space<vmem>>) target(%dma_start3A_67 : memref<400x64xf32, #tpu.memory_space<hbm>>) target_semaphore(%arg14 : memref<!tpu.dma_semaphore, #tpu.memory_space<semaphore_mem>>)
      %mul3A_68 = arith.constant 2 : i32
      %mul3A_69 = arith.muli %scan3A_35, %mul3A_68 : i32
      %add3A_70 = arith.constant 1 : i32
      %add3A_71 = arith.addi %mul3A_69, %add3A_70 : i32
      %mul3A_72 = arith.constant 400 : i32
      %mul3A_73 = arith.muli %add3A_71, %mul3A_72 : i32
      %add3A_74 = arith.addi %mul3A_2, %mul3A_73 : i32
      %multiple_of3A_75 = tpu.assume_multiple %add3A_74, 16 : i32
      %dma_wait3A_76 = tpu.memref_slice %arg2[%multiple_of3A_75] : memref<819200xi32, #tpu.memory_space<hbm>> -> memref<400xi32, #tpu.memory_space<hbm>>
      %dma_wait3A_77 = tpu.memref_slice %arg2[%multiple_of3A_75] : memref<819200xi32, #tpu.memory_space<hbm>> -> memref<400xi32, #tpu.memory_space<hbm>>
      tpu.wait_dma2 semaphore(%arg12 : memref<!tpu.dma_semaphore, #tpu.memory_space<semaphore_mem>>) src(%dma_wait3A_77 : memref<400xi32, #tpu.memory_space<hbm>>) dst(%arg8 : memref<400xi32, #tpu.memory_space<vmem>>)
      %add3A_78 = arith.constant 2 : i32
      %add3A_79 = arith.addi %add3A_71, %add3A_78 : i32
      %lt3A_80 = arith.constant 64 : i32
      %lt3A_81 = arith.cmpi slt, %add3A_79, %lt3A_80 : i32
      %convert_element_type3A_82 = arith.extui %lt3A_81 : i1 to i32
      %cond3A_83 = arith.constant 0 : i32
      %cond3A_84 = arith.cmpi ne, %convert_element_type3A_82, %cond3A_83 : i32
      scf.if %cond3A_84 {
        %add3A_102 = arith.constant 2 : i32
        %add3A_103 = arith.addi %add3A_71, %add3A_102 : i32
        %mul3A_104 = arith.constant 400 : i32
        %mul3A_105 = arith.muli %add3A_103, %mul3A_104 : i32
        %add3A_106 = arith.addi %mul3A_2, %mul3A_105 : i32
        %multiple_of3A_107 = tpu.assume_multiple %add3A_106, 16 : i32
        %dma_start3A_108 = tpu.memref_slice %arg2[%multiple_of3A_107] : memref<819200xi32, #tpu.memory_space<hbm>> -> memref<400xi32, #tpu.memory_space<hbm>>
        %dma_start3A_109 = tpu.memref_slice %arg2[%multiple_of3A_107] : memref<819200xi32, #tpu.memory_space<hbm>> -> memref<400xi32, #tpu.memory_space<hbm>>
        tpu.enqueue_dma source(%dma_start3A_109 : memref<400xi32, #tpu.memory_space<hbm>>) target(%arg8 : memref<400xi32, #tpu.memory_space<vmem>>) target_semaphore(%arg12 : memref<!tpu.dma_semaphore, #tpu.memory_space<semaphore_mem>>)
      } else {
      }
      %ge3A_85 = arith.constant 2 : i32
      %ge3A_86 = arith.cmpi sge, %add3A_71, %ge3A_85 : i32
      %convert_element_type3A_87 = arith.extui %ge3A_86 : i1 to i32
      %cond3A_88 = arith.constant 0 : i32
      %cond3A_89 = arith.cmpi ne, %convert_element_type3A_87, %cond3A_88 : i32
      scf.if %cond3A_89 {
        %dma_wait3A_102 = tpu.memref_reshape %arg4 : memref<4096x200x64xf32, #tpu.memory_space<hbm>> -> memref<819200x64xf32, #tpu.memory_space<hbm>>
        %dma_wait3A_103 = arith.constant 0 : i32
        %dma_wait3A_104 = tpu.memref_slice %dma_wait3A_102[%multiple_of3A_75, %dma_wait3A_103] : memref<819200x64xf32, #tpu.memory_space<hbm>> -> memref<400x64xf32, #tpu.memory_space<hbm>>
        %dma_wait3A_105 = tpu.memref_reshape %arg4 : memref<4096x200x64xf32, #tpu.memory_space<hbm>> -> memref<819200x64xf32, #tpu.memory_space<hbm>>
        %dma_wait3A_106 = arith.constant 0 : i32
        %dma_wait3A_107 = tpu.memref_slice %dma_wait3A_105[%multiple_of3A_75, %dma_wait3A_106] : memref<819200x64xf32, #tpu.memory_space<hbm>> -> memref<400x64xf32, #tpu.memory_space<hbm>>
        tpu.wait_dma2 semaphore(%arg15 : memref<!tpu.dma_semaphore, #tpu.memory_space<semaphore_mem>>) src(%arg10 : memref<400x64xf32, #tpu.memory_space<vmem>>) dst(%dma_wait3A_107 : memref<400x64xf32, #tpu.memory_space<hbm>>)
      } else {
      }
      %dma_start3A_90 = arith.constant 0 : i32
      %dma_start3A_91 = arith.constant 0 : i32
      %dma_start3A_92 = tpu.memref_slice %arg5[%dma_start3A_90, %dma_start3A_91] : memref<30x64xf32, #tpu.memory_space<vmem_shared>> -> memref<30x64xf32, #tpu.memory_space<vmem_shared>>
      tpu.enqueue_indirect_dma source(%dma_start3A_92 : memref<30x64xf32, #tpu.memory_space<vmem_shared>>) target(%arg10 : memref<400x64xf32, #tpu.memory_space<vmem>>) offsets(%arg8 : memref<400xi32, #tpu.memory_space<vmem>>) semaphore(%arg13 : memref<!tpu.dma_semaphore, #tpu.memory_space<semaphore_mem>>)
      %dma_wait3A_93 = arith.constant 0 : i32
      %dma_wait3A_94 = arith.constant 0 : i32
      %dma_wait3A_95 = tpu.memref_slice %arg5[%dma_wait3A_93, %dma_wait3A_94] : memref<30x64xf32, #tpu.memory_space<vmem_shared>> -> memref<30x64xf32, #tpu.memory_space<vmem_shared>>
      tpu.wait_indirect_dma semaphore(%arg13 : memref<!tpu.dma_semaphore, #tpu.memory_space<semaphore_mem>>) src(%dma_wait3A_95 : memref<30x64xf32, #tpu.memory_space<vmem_shared>>) dst(%arg10 : memref<400x64xf32, #tpu.memory_space<vmem>>)
      %dma_start3A_96 = tpu.memref_reshape %arg4 : memref<4096x200x64xf32, #tpu.memory_space<hbm>> -> memref<819200x64xf32, #tpu.memory_space<hbm>>
      %dma_start3A_97 = arith.constant 0 : i32
      %dma_start3A_98 = tpu.memref_slice %dma_start3A_96[%multiple_of3A_75, %dma_start3A_97] : memref<819200x64xf32, #tpu.memory_space<hbm>> -> memref<400x64xf32, #tpu.memory_space<hbm>>
      %dma_start3A_99 = tpu.memref_reshape %arg4 : memref<4096x200x64xf32, #tpu.memory_space<hbm>> -> memref<819200x64xf32, #tpu.memory_space<hbm>>
      %dma_start3A_100 = arith.constant 0 : i32
      %dma_start3A_101 = tpu.memref_slice %dma_start3A_99[%multiple_of3A_75, %dma_start3A_100] : memref<819200x64xf32, #tpu.memory_space<hbm>> -> memref<400x64xf32, #tpu.memory_space<hbm>>
      tpu.enqueue_dma source(%arg10 : memref<400x64xf32, #tpu.memory_space<vmem>>) target(%dma_start3A_101 : memref<400x64xf32, #tpu.memory_space<hbm>>) target_semaphore(%arg15 : memref<!tpu.dma_semaphore, #tpu.memory_space<semaphore_mem>>)
    }
    %scan3A_17 = arith.constant 32 : i32
    %add3A_18 = arith.constant 24800 : i32
    %add3A_19 = arith.addi %mul3A_2, %add3A_18 : i32
    %multiple_of3A_20 = tpu.assume_multiple %add3A_19, 16 : i32
    %dma_wait3A = tpu.memref_reshape %arg4 : memref<4096x200x64xf32, #tpu.memory_space<hbm>> -> memref<819200x64xf32, #tpu.memory_space<hbm>>
    %dma_wait3A_21 = arith.constant 0 : i32
    %dma_wait3A_22 = tpu.memref_slice %dma_wait3A[%multiple_of3A_20, %dma_wait3A_21] : memref<819200x64xf32, #tpu.memory_space<hbm>> -> memref<400x64xf32, #tpu.memory_space<hbm>>
    %dma_wait3A_23 = tpu.memref_reshape %arg4 : memref<4096x200x64xf32, #tpu.memory_space<hbm>> -> memref<819200x64xf32, #tpu.memory_space<hbm>>
    %dma_wait3A_24 = arith.constant 0 : i32
    %dma_wait3A_25 = tpu.memref_slice %dma_wait3A_23[%multiple_of3A_20, %dma_wait3A_24] : memref<819200x64xf32, #tpu.memory_space<hbm>> -> memref<400x64xf32, #tpu.memory_space<hbm>>
    tpu.wait_dma2 semaphore(%arg14 : memref<!tpu.dma_semaphore, #tpu.memory_space<semaphore_mem>>) src(%arg9 : memref<400x64xf32, #tpu.memory_space<vmem>>) dst(%dma_wait3A_25 : memref<400x64xf32, #tpu.memory_space<hbm>>)
    %add3A_26 = arith.constant 25200 : i32
    %add3A_27 = arith.addi %mul3A_2, %add3A_26 : i32
    %multiple_of3A_28 = tpu.assume_multiple %add3A_27, 16 : i32
    %dma_wait3A_29 = tpu.memref_reshape %arg4 : memref<4096x200x64xf32, #tpu.memory_space<hbm>> -> memref<819200x64xf32, #tpu.memory_space<hbm>>
    %dma_wait3A_30 = arith.constant 0 : i32
    %dma_wait3A_31 = tpu.memref_slice %dma_wait3A_29[%multiple_of3A_28, %dma_wait3A_30] : memref<819200x64xf32, #tpu.memory_space<hbm>> -> memref<400x64xf32, #tpu.memory_space<hbm>>
    %dma_wait3A_32 = tpu.memref_reshape %arg4 : memref<4096x200x64xf32, #tpu.memory_space<hbm>> -> memref<819200x64xf32, #tpu.memory_space<hbm>>
    %dma_wait3A_33 = arith.constant 0 : i32
    %dma_wait3A_34 = tpu.memref_slice %dma_wait3A_32[%multiple_of3A_28, %dma_wait3A_33] : memref<819200x64xf32, #tpu.memory_space<hbm>> -> memref<400x64xf32, #tpu.memory_space<hbm>>
    tpu.wait_dma2 semaphore(%arg15 : memref<!tpu.dma_semaphore, #tpu.memory_space<semaphore_mem>>) src(%arg10 : memref<400x64xf32, #tpu.memory_space<vmem>>) dst(%dma_wait3A_34 : memref<400x64xf32, #tpu.memory_space<hbm>>)
    return
  }
}

</mosaic_0001>

<sc_bundles>
// kernel: kernel.3.cloned.1.call-start
scs
__scs_entry_jumppad:
0x0: {  	(pc) =	sbr.rel $0x88, $3  }
0x1: {  	(tag) =	ssettag $0x0;
	lr =	simm.s32 $0x1  }
0x2: {  	[smem:$0x3F9F] =	sst lr;
	_ =	strace $0xD0000000  }
0x3: {  	_ = 	snop  }
0x4: {  	_ = 	snop  }
0x5: {  	_ = 	snop  }
0x6: {  	_ = 	snop  }
0x7: {  	_ = 	snop  }
__scs_overlays_trampoline_lowered:
0x8: {  	[smem:$0x3FAE] =	sst s0  }
0x9: {  	[smem:$0x3FAF] =	sst s1  }
0xa: {  	[smem:$0x3FB0] =	sst s2  }
0xb: {  	[smem:$0x3FB1] =	sst s3  }
0xc: {  	[smem:$0x3FB2] =	sst s4  }
0xd: {  	[smem:$0x3FB3] =	sst s5  }
0xe: {  	[smem:$0x3FB4] =	sst s6  }
0xf: {  	[smem:$0x3FB5] =	sst s7  }
0x10: {  	[smem:$0x3FB6] =	sst s8  }
0x11: {  	[smem:$0x3FB7] =	sst s9;
	s0 =	simm.s32 @!p0 $0x0  }
0x12: {  	s1 =	sld [smem:$0x3F9D];
	s0 =	simm.s32 @p0 $0x1  }
0x13: {  	[smem:$0x3FB8] =	sst s0;
	s0 =	simm.s32 @!p1 $0x0  }
0x14: {  	s2 =	sld [smem:$0x3F9C];
	s0 =	simm.s32 @p1 $0x1  }
0x15: {  	[smem:$0x3FB9] =	sst s0;
	s0 =	simm.s32 @!p2 $0x0  }
0x16: {  	s3 =	sld [smem:$0x3FDB];
	s0 =	simm.s32 @p2 $0x1  }
0x17: {  	s4 =	simm.s32 $0x1BF5;
	[smem:$0x3FBB] =	sst s0  }
0x18: {  	s0 =	sld [smem:$0x3F9E];
	_ =	swait.ge [sflag:s4], $0x0  }
0x19: {  	s7 =	sld [smem:$0x3F9F]  }
0x1a: {  	s8 =	sadd.s32 $0xFFFFE003, lr  }
0x1b: {  	s9 =	sadd.s32 $0xFFFFFEF7, lr;
	s5 =	simm.s32 $0xFFFFFFFF;
	p2 =	slt.u32 s8, $0xFFFFF086  }
0x1c: {  	p1 =	slt.u32 s9, $0xF7A;
	s5 =	simm.s32 @!p2 $0x0  }
0x1d: {  	s5 =	simm.s32 @p1 $0x1;
	p0 =	seq.s32 s7, s2  }
0x1e: {  	s7 =	smul.u32 @!p0 $0xF7A, s2;
	p2 =	seq.s32 @!p0 s5, $0x0  }
0x1f: {  	s9 =	smul.u32 $0xF7A, s1;
	s8 =	simm.s32 @!p0 $0x1BF5;
	p2 =	por !p2, p0  }
0x20: {  	[sflag:s8] =	ssyncset.s32 @!p0 $0xFFFFF086;
	s6 =	sadd.s32 @!p0 s3, s7;
	s7 =	simm.s32 @!p0 $0x108  }
0x21: {  	s3 =	sadd.s32 s3, s9;
	s6 =	sadd.s32 @!p0 $0x88, s6;
	s7 =	simm.s32 @p2 $0x1082  }
0x22: {  	[simem:s7], [sflag:s8] =	dma.local @!p0 [hbm:s6], $0xF7A  }
0x23: {  	s9 =	sor.u32 $0xD0000000, s2;
	s6 =	simm.s32 $0x108;
	_ =	swait.ge @!p0 [sflag:s8], $0x0  }
0x24: {  	s3 =	sadd.s32 $0x88, s3;
	s6 =	simm.s32 @!p1 $0x1082;
	[sflag:s4] =	ssyncset.s32 $0xFFFFF086  }
0x25: {  	[simem:s6], [sflag:s4] =	dma.local [hbm:s3], $0xF7A  }
0x26: {  	[smem:$0x3F9F] =	sst s1;
	(tag) =	ssettag s2;
	_ =	strace s9  }
0x27: {  	s1 =	sld [smem:$0x3FAF]  }
0x28: {  	s2 =	sld [smem:$0x3FB0]  }
0x29: {  	s4 =	sld [smem:$0x3FB2]  }
0x2a: {  	p0 =	seq.s32 s5, $0x0;
	s5 =	sld [smem:$0x3FB3]  }
0x2b: {  	s6 =	sld [smem:$0x3FB4]  }
0x2c: {  	s7 =	sld [smem:$0x3FB5]  }
0x2d: {  	s3 =	simm.s32 $0x108;
	s8 =	sld [smem:$0x3FB6]  }
0x2e: {  	s3 =	simm.s32 @!p0 $0x1082;
	s9 =	sld [smem:$0x3FB7]  }
0x2f: {  	lr =	sadd.s32 s0, s3;
	s0 =	sld [smem:$0x3FAE]  }
0x30: {  	s3 =	sld [smem:$0x3FB1]  }
0x31: {  	[smem:$0x3FBA] =	sst s10  }
0x32: {  	s10 =	sld [smem:$0x3FB8];
	_ =	sdelay $0x3  }
0x33: {  	p0 =	seq.s32 s10, $0x1;
	s10 =	sld [smem:$0x3FBA];
	_ =	sdelay $0x3  }
0x34: {  	[smem:$0x3FBA] =	sst s10  }
0x35: {  	s10 =	sld [smem:$0x3FB9];
	_ =	sdelay $0x3  }
0x36: {  	p1 =	seq.s32 s10, $0x1;
	s10 =	sld [smem:$0x3FBA];
	_ =	sdelay $0x3  }
0x37: {  	[smem:$0x3FBA] =	sst s10  }
0x38: {  	s10 =	sld [smem:$0x3FBB]  }
0x39: {  	_ = 	snop;
	(pc) =	sbr.ind lr, $3  }
0x3a: {  	_ = 	snop  }
0x3b: {  	_ = 	snop  }
0x3c: {  	p2 =	seq.s32 s10, $0x1;
	s10 =	sld [smem:$0x3FBA]  }
0x3d: {  	_ =	shalt  }
0x3e: {  	_ =	shalt  }
0x3f: {  	_ =	shalt  }
0x40: {  	_ =	shalt  }
0x41: {  	_ =	shalt  }
0x42: {  	_ =	shalt  }
0x43: {  	_ =	shalt  }
0x44: {  	_ =	shalt  }
0x45: {  	_ =	shalt  }
0x46: {  	_ =	shalt  }
0x47: {  	_ =	shalt  }
0x48: {  	_ =	shalt  }
0x49: {  	_ =	shalt  }
0x4a: {  	_ =	shalt  }
0x4b: {  	_ =	shalt  }
0x4c: {  	_ =	shalt  }
0x4d: {  	_ =	shalt  }
0x4e: {  	_ =	shalt  }
0x4f: {  	_ =	shalt  }
0x50: {  	_ =	shalt  }
0x51: {  	_ =	shalt  }
0x52: {  	_ =	shalt  }
0x53: {  	_ =	shalt  }
0x54: {  	_ =	shalt  }
0x55: {  	_ =	shalt  }
0x56: {  	_ =	shalt  }
0x57: {  	_ =	shalt  }
0x58: {  	_ =	shalt  }
0x59: {  	_ =	shalt  }
0x5a: {  	_ =	shalt  }
0x5b: {  	_ =	shalt  }
0x5c: {  	_ =	shalt  }
0x5d: {  	_ =	shalt  }
0x5e: {  	_ =	shalt  }
0x5f: {  	_ =	shalt  }
0x60: {  	_ =	shalt  }
0x61: {  	_ =	shalt  }
0x62: {  	_ =	shalt  }
0x63: {  	_ =	shalt  }
0x64: {  	_ =	shalt  }
0x65: {  	_ =	shalt  }
0x66: {  	_ =	shalt  }
0x67: {  	_ =	shalt  }
0x68: {  	_ =	shalt  }
0x69: {  	_ =	shalt  }
0x6a: {  	_ =	shalt  }
0x6b: {  	_ =	shalt  }
0x6c: {  	_ =	shalt  }
0x6d: {  	_ =	shalt  }
0x6e: {  	_ =	shalt  }
0x6f: {  	_ =	shalt  }
0x70: {  	_ =	shalt  }
0x71: {  	_ =	shalt  }
0x72: {  	_ =	shalt  }
0x73: {  	_ =	shalt  }
0x74: {  	_ =	shalt  }
0x75: {  	_ =	shalt  }
0x76: {  	_ =	shalt  }
0x77: {  	_ =	shalt  }
0x78: {  	_ =	shalt  }
0x79: {  	_ =	shalt  }
0x7a: {  	_ =	shalt  }
0x7b: {  	_ =	shalt  }
0x7c: {  	_ =	shalt  }
0x7d: {  	_ =	shalt  }
0x7e: {  	_ =	shalt  }
0x7f: {  	_ =	shalt  }
0x80: {  	_ =	shalt  }
0x81: {  	_ =	shalt  }
0x82: {  	_ =	shalt  }
0x83: {  	_ =	shalt  }
0x84: {  	_ =	shalt  }
0x85: {  	_ =	shalt  }
0x86: {  	_ =	shalt  }
0x87: {  	_ =	shalt  }
.Lfunc_end0:
.L_simem_size_0:
called_computation_lowered:
.L_overlay_start_0:
0x88: {  	s2 =	sld [smem:$0x3FD9]  }
0x89: {  	s3 =	sld [smem:$0x3FFE];
	_ =	sdelay $0x1  }
0x8a: {  	s1 =	srdreg.scid  }
0x8b: {  	s0 =	sand.u32 $0x1, s1  }
0x8c: {  	s17 =	sshll.u32 s0, $0xA;
	s2 =	sadd.s32 s3, s2  }
0x8d: {  	s2 =	sadd.s32 s2, s17  }
0x8e: {  	[smem:$0x3FC6] =	sst s2  }
0x8f: {  	_ = 	snop  }
0x90: {  	s2 =	sld [smem:$0x3FD0];
	(tm) =	ssettm $0x1  }
0x91: {  	s18 =	sld [smem:$0x3FFB];
	_ =	sdelay $0x3  }
0x92: {  	_ =	strace s18  }
0x93: {  	s3 =	sld [smem:$0x3FFC];
	_ =	sdelay $0x3  }
0x94: {  	_ =	strace s3  }
0x95: {  	s3 =	sld [smem:$0x3FFD];
	_ =	sdelay $0x3  }
0x96: {  	_ =	strace s3  }
0x97: {  	_ =	strace $0x8FFFFFFF  }
0x98: {  	s19 =	sld [smem:$0x3FDB];
	_ =	sdelay $0x1  }
0x99: {  	s4 =	simm.s32 $_scs_section_size  }
0x9a: {  	s5 =	simm.s32 $_size__tile_overlayer_lowered;
	s6 =	simm.s32 $_tile_overlayer_lowered  }
0x9b: {  	s22 =	simm.s32 $0x1BFF;
	s21 =	sshll.u32 s6, $0x1;
	s3 =	sadd.s32 s4, s19  }
0x9c: {  	s7 =	simm.s32 $0x0;
	s20 =	sshll.u32 s5, $0x1;
	s5 =	sadd.s32 s21, s3  }
0x9d: {  	[timem:s7], [sflag:s22] =	dma.local [hbm:s5], s20  }
0x9e: {  	_ =	swait.ge [sflag:s22], s20  }
0x9f: {  	s4 =	ssub.s32 $0x0, s20;
	[sflag:s22] =	ssyncset.done $0x0  }
0xa0: {  	[sflag:s22] =	ssyncadd.s32 s4;
	_ =	sdelay $0x1  }
0xa1: {  	s23 =	simm.s32 $0x1B8B  }
0xa2: {  	_ =	swait.ge [sflag:s23], $0x1  }
0xa3: {  	[sflag:s23] =	ssyncset.done $0x0  }
0xa4: {  	s25 =	simm.s32 $0x1B8E;
	s24 =	sld [smem:$0x3FFE];
	[sflag:s23] =	ssyncadd.s32 $0xFFFFFFFF  }
0xa5: {  	s26 =	simm.s32 $execute0_lowered;
	[smem:$0x3FD2] =	sst s25  }
0xa6: {  	s5 =	sshll.u32 s26, $0x1;
	_ =	strace $0x80000046;
	[dreg:$0x1] =	wrdreg $0xFFFFFFFF  }
0xa7: {  	s28 =	simm.s32 $_size_execute0_lowered;
	s3 =	sadd.s32 s3, s5;
	[dreg:$0x0] =	wrdreg $0x0  }
0xa8: {  	s5 =	sshll.u32 s28, $0x1;
	[dreg:$0x2] =	wrdreg s3  }
0xa9: {  	[dreg:$0x3] =	wrdreg s5  }
0xaa: {  	[dreg:$0x4] =	wrdreg $0xC0  }
0xab: {  	_ =	task [dreg:s7], $0x5FFFF  }
0xac: {  	[dreg:$0x1] =	wrdreg $0xFFFFFFFF  }
0xad: {  	[dreg:$0x0] =	wrdreg $0x60  }
0xae: {  	[dreg:$0x2] =	wrdreg s2  }
0xaf: {  	[dreg:$0x3] =	wrdreg s24  }
0xb0: {  	[dreg:$0x4] =	wrdreg $0x0  }
0xb1: {  	[dreg:$0x5] =	wrdreg $0x9  }
0xb2: {  	_ =	task.clear_ibuf [dreg:s7], $0x6FFFF;
	_ =	strace $0x90000046  }
0xb3: {  	s29 =	simm.s32 $0x9;
	_ =	strace $0x80000048  }
0xb4: {  	_ =	swait.ge [sflag:s29], $0x1  }
0xb5: {  	[sflag:s29] =	ssyncadd.s32 $0xFFFFFFFF  }
0xb6: {  	_ =	strace $0x90000048  }
0xb7: {  	_ =	sfence  }
0xb8: {  	s30 =	sld [smem:$0x0];
	_ =	sdelay $0x2  }
0xb9: {  	s31 =	sshll.u32 s1, $0xD;
	s1 =	sshrl.u32 s1, $0x2  }
0xba: {  	s3 =	sand.u32 $0x4000, s31;
	s1 =	sadd.s32 s1, s30  }
0xbb: {  	s0 =	sor.u32 s3, s0;
	s1 =	sshll.u32 s1, $0x11  }
0xbc: {  	s0 =	sor.u32 s1, s0  }
0xbd: {  	s0 =	sadd.s32 $0x8F2B, s0  }
0xbe: {  	[sflag:s0] =	ssyncadd.remote.s32 $0x1  }
0xbf: {  	_ =	sfence.sel $0xFFFF  }
0xc0: {  	[dreg:$0x0] =	wrdreg $0xFFFFFFFF;
	(pc) =	sbr.abs _section_cstart, $3  }
0xc1: {  	[dreg:$0x1] =	wrdreg $0xFFFFFFFF  }
0xc2: {  	_ =	task.clear_ibuf [dreg:s7], $0x2FFFF;
	_ =	strace $0x9FFFFFFF  }
0xc3: {  	(tm) =	ssettm $0x7FFFFFFF  }
tec
execute0_lowered:
.L_overlay_start_1:
0x0: {  	(tag) =	ssettag $0x1  }
0x1: {  	s0 =	rddreg [dreg:$0x0]  }
0x2: {  	s3 =	rddreg [dreg:$0x1]  }
0x3: {  	s1 =	rddreg [dreg:$0x2];
	s2 =	simm.s32 $0x0  }
0x4: {  	s4 =	srdreg.scid;
	s5 =	stileid.u32;
	s28 =	simm.s32 $0x9F8  }
0x5: {  	s29 =	simm.s32 $0x1;
	[smem:$0x7FF] =	sst s2;
	s7 =	sadd.s32 $0x400, s3  }
0x6: {  	s9 =	sadd.s32 $0x80, s1;
	_ =	strace $0x80000047;
	[dreg:$0x4] =	wrdreg s7  }
0x7: {  	s30 =	simm.s32 $0x190;
	s18 =	sadd.s32 $0x100, s1;
	[dreg:$0x5] =	wrdreg s9  }
0x8: {  	s31 =	simm.s32 $0xBF8;
	s19 =	sadd.s32 $0x180, s1;
	[dreg:$0x6] =	wrdreg s18  }
0x9: {  	s4 =	sand.u32 $0x1, s4;
	s20 =	sadd.s32 $0x200, s1;
	[dreg:$0x7] =	wrdreg s19  }
0xa: {  	s8 =	sshll.u32 s5, $0x1;
	s21 =	sadd.s32 $0x280, s1;
	[dreg:$0x8] =	wrdreg s20  }
0xb: {  	s3 =	sadd.s32 $0x600, s3;
	s22 =	sadd.s32 $0x300, s1;
	[dreg:$0x9] =	wrdreg s21  }
0xc: {  	s23 =	sadd.s32 $0x380, s1;
	s24 =	smul.u32 $0xC800, s5;
	[dreg:$0xa] =	wrdreg s22  }
0xd: {  	s10 =	sadd.s32 $0x400, s1;
	s25 =	sadd.s32 $0x480, s1;
	[dreg:$0xb] =	wrdreg s23  }
0xe: {  	s11 =	sadd.s32 $0x500, s1;
	s12 =	sadd.s32 $0x580, s1;
	[dreg:$0xc] =	wrdreg s10  }
0xf: {  	s14 =	smul.u32 $0xC8000, s5;
	p0 =	sne.s32 s5, $0x0;
	[dreg:$0xd] =	wrdreg s25  }
0x10: {  	s5 =	sadd.s32 $0x800, s1;
	s6 =	ssub.s32 $0x2, s4;
	[dreg:$0xe] =	wrdreg s11  }
0x11: {  	s17 =	sor.u32 s4, s8;
	s26 =	smul.u32 $0x6400, s4;
	[dreg:$0xf] =	wrdreg s12  }
0x12: {  	s4 =	smul.u32 $0x64000, s4;
	s21 =	sadd.s32 $0x600, s1;
	[dreg:$0x14] =	wrdreg s5  }
0x13: {  	s25 =	sadd.s32 $0x680, s1;
	s10 =	sadd.s32 $0xA00, s1;
	[dreg:$0x10] =	wrdreg s21  }
0x14: {  	s11 =	sadd.s32 $0xA80, s1;
	s5 =	simm.s32 $0x5;
	[dreg:$0x11] =	wrdreg s25  }
0x15: {  	s16 =	sshrl.u32 s6, $0x1;
	s8 =	smul.u32 $0x6400, s17;
	[dreg:$0x18] =	wrdreg s10  }
0x16: {  	s7 =	smul.u32 $0x64000, s17;
	[dreg:$0x19] =	wrdreg s11;
	s21 =	sadd.s32 $0xD00, s1  }
0x17: {  	s25 =	sadd.s32 $0xE00, s1;
	s6 =	ssub.s32 s6, s16;
	[dreg:$0x1e] =	wrdreg s21  }
0x18: {  	s9 =	sadd.s32 s26, s24;
	s26 =	sadd.s32 $0x700, s1;
	[smem:$0x7FC] =	sst s25  }
0x19: {  	s21 =	simm.s32 $0x2;
	s13 =	sshrl.u32 s8, $0x3;
	s12 =	sor.u32 $0x320, s8  }
0x1a: {  	s8 =	sshll.u32 s8, $0x4;
	s15 =	sadd.s32 s3, s7;
	s23 =	sadd.s32 $0x7D0, s9  }
0x1b: {  	s9 =	sadd.s32 $0x640, s9;
	[dreg:$0x12] =	wrdreg s26;
	s7 =	sadd.s32 $0x900, s1  }
0x1c: {  	s26 =	sadd.s32 $0xE80, s1;
	s16 =	sadd.s32 s8, s3;
	s3 =	sadd.s32 s14, s3  }
0x1d: {  	s17 =	sadd.s32 s0, s13;
	s22 =	sshrl.u32 s12, $0x3;
	s24 =	sshrl.u32 s9, $0x3  }
0x1e: {  	[dreg:$0x16] =	wrdreg s7;
	s8 =	sadd.s32 $0x980, s1;
	s12 =	sadd.s32 $0xB00, s1  }
0x1f: {  	s13 =	sadd.s32 $0xB80, s1;
	s14 =	sadd.s32 $0xC00, s1;
	[smem:$0x7FD] =	sst s26  }
0x20: {  	s26 =	simm.s32 $0x7F8;
	s3 =	sadd.s32 s4, s3;
	[dreg:$0x17] =	wrdreg s8  }
0x21: {  	s18 =	sadd.s32 s0, s22;
	s4 =	sshrl.u32 s23, $0x3;
	[dreg:$0x1a] =	wrdreg s12  }
0x22: {  	s20 =	sadd.s32 s24, s0;
	s23 =	smax.u32 s6, $0x1;
	[dreg:$0x1b] =	wrdreg s13  }
0x23: {  	s24 =	sadd.s32 $0x1900, s16;
	s6 =	sadd.s32 $0x880, s1;
	[dreg:$0x1c] =	wrdreg s14  }
0x24: {  	s16 =	sadd.s32 $0xC80, s1;
	s22 =	sadd.s32 $0xD80, s1;
	s12 =	sadd.s32 $0x32, s17  }
0x25: {  	s13 =	sadd.s32 $0x96, s17;
	s14 =	sadd.s32 $0x60E00, s15;
	[dreg:$0x15] =	wrdreg s6  }
0x26: {  	s19 =	sadd.s32 s4, s0;
	s9 =	sadd.s32 $0x4B00, s3;
	[dreg:$0x1d] =	wrdreg s16  }
0x27: {  	s4 =	sadd.s32 $0x780, s1;
	[dreg:$0x1f] =	wrdreg s22;
	s16 =	sadd.s32 $0x62700, s15  }
0x28: {  	s22 =	simm.s32 $0x6;
	s0 =	simm.s32 $0x3;
	s3 =	simm.s32 $0xD3F8  }
0x29: {  	s6 =	simm.s32 $0x0;
	[dreg:$0x13] =	wrdreg s4;
	s4 =	simm.s32 $0x4  }
.LBB2_1:
.Ltmp0:
0x2a: {  	(pc) =	sbr.rel @p0 .LBB2_3-.Ltmp0, $1  }
0x2b: {  	_ =	sdelay $0x3  }
0x2c: {  	s7 =	rddreg [dreg:$0x4];
	s8 =	simm.s32 $0x78  }
0x2d: {  	[tilespmem:s8], [sflag:$0x6] =	stream.linear.gather [hbm4b:s7+s2], $0x780, $0x38;
	[tilespmem:$0x19BF8] =	vst v63  }
0x2e: {  	_ =	swait.ge [sflag:s22], $0x780  }
0x2f: {  	[sflag:s22] =	ssyncset.done $0x0  }
0x30: {  	[sflag:s22] =	ssyncadd.s32 $0xFFFFF880  }
0x31: {  	[spmem:s1] =	stream.linear.scatter [tilespmem:s8], [sflag:$0x6], $0x40, $0x38;
	[tilespmem:$0x19BF8] =	vst v63  }
0x32: {  	_ =	swait.ge [sflag:s22], $0x40  }
0x33: {  	[sflag:s22] =	ssyncset.done $0x0  }
0x34: {  	s25 =	simm.s32 $0xB8;
	s11 =	rddreg [dreg:$0x5];
	[sflag:s22] =	ssyncadd.s32 $0xFFFFFFC0  }
0x35: {  	[spmem:s11] =	stream.linear.scatter [tilespmem:s25], [sflag:$0x6], $0x40, $0x38;
	[tilespmem:$0x19BF8] =	vst v63  }
0x36: {  	_ =	swait.ge [sflag:s22], $0x40  }
0x37: {  	[sflag:s22] =	ssyncset.done $0x0  }
0x38: {  	s10 =	simm.s32 $0xF8;
	s8 =	rddreg [dreg:$0x6];
	[sflag:s22] =	ssyncadd.s32 $0xFFFFFFC0  }
0x39: {  	[spmem:s8] =	stream.linear.scatter [tilespmem:s10], [sflag:$0x6], $0x40, $0x38;
	[tilespmem:$0x19BF8] =	vst v63  }
0x3a: {  	_ =	swait.ge [sflag:s22], $0x40  }
0x3b: {  	[sflag:s22] =	ssyncset.done $0x0  }
0x3c: {  	s25 =	simm.s32 $0x138;
	s11 =	rddreg [dreg:$0x7];
	[sflag:s22] =	ssyncadd.s32 $0xFFFFFFC0  }
0x3d: {  	[spmem:s11] =	stream.linear.scatter [tilespmem:s25], [sflag:$0x6], $0x40, $0x38;
	[tilespmem:$0x19BF8] =	vst v63  }
0x3e: {  	_ =	swait.ge [sflag:s22], $0x40  }
0x3f: {  	[sflag:s22] =	ssyncset.done $0x0  }
0x40: {  	s10 =	simm.s32 $0x178;
	s8 =	rddreg [dreg:$0x8];
	[sflag:s22] =	ssyncadd.s32 $0xFFFFFFC0  }
0x41: {  	[spmem:s8] =	stream.linear.scatter [tilespmem:s10], [sflag:$0x6], $0x40, $0x38;
	[tilespmem:$0x19BF8] =	vst v63  }
0x42: {  	_ =	swait.ge [sflag:s22], $0x40  }
0x43: {  	[sflag:s22] =	ssyncset.done $0x0  }
0x44: {  	s25 =	simm.s32 $0x1B8;
	s11 =	rddreg [dreg:$0x9];
	[sflag:s22] =	ssyncadd.s32 $0xFFFFFFC0  }
0x45: {  	[spmem:s11] =	stream.linear.scatter [tilespmem:s25], [sflag:$0x6], $0x40, $0x38;
	[tilespmem:$0x19BF8] =	vst v63  }
0x46: {  	_ =	swait.ge [sflag:s22], $0x40  }
0x47: {  	[sflag:s22] =	ssyncset.done $0x0  }
0x48: {  	s10 =	simm.s32 $0x1F8;
	s8 =	rddreg [dreg:$0xa];
	[sflag:s22] =	ssyncadd.s32 $0xFFFFFFC0  }
0x49: {  	[spmem:s8] =	stream.linear.scatter [tilespmem:s10], [sflag:$0x6], $0x40, $0x38;
	[tilespmem:$0x19BF8] =	vst v63  }
0x4a: {  	_ =	swait.ge [sflag:s22], $0x40  }
0x4b: {  	[sflag:s22] =	ssyncset.done $0x0  }
0x4c: {  	s25 =	simm.s32 $0x238;
	s11 =	rddreg [dreg:$0xb];
	[sflag:s22] =	ssyncadd.s32 $0xFFFFFFC0  }
0x4d: {  	[spmem:s11] =	stream.linear.scatter [tilespmem:s25], [sflag:$0x6], $0x40, $0x38;
	[tilespmem:$0x19BF8] =	vst v63  }
0x4e: {  	_ =	swait.ge [sflag:s22], $0x40  }
0x4f: {  	[sflag:s22] =	ssyncset.done $0x0  }
0x50: {  	s10 =	simm.s32 $0x278;
	s8 =	rddreg [dreg:$0xc];
	[sflag:s22] =	ssyncadd.s32 $0xFFFFFFC0  }
0x51: {  	[spmem:s8] =	stream.linear.scatter [tilespmem:s10], [sflag:$0x6], $0x40, $0x38;
	[tilespmem:$0x19BF8] =	vst v63  }
0x52: {  	_ =	swait.ge [sflag:s22], $0x40  }
0x53: {  	[sflag:s22] =	ssyncset.done $0x0  }
0x54: {  	s25 =	simm.s32 $0x2B8;
	s11 =	rddreg [dreg:$0xd];
	[sflag:s22] =	ssyncadd.s32 $0xFFFFFFC0  }
0x55: {  	[spmem:s11] =	stream.linear.scatter [tilespmem:s25], [sflag:$0x6], $0x40, $0x38;
	[tilespmem:$0x19BF8] =	vst v63  }
0x56: {  	_ =	swait.ge [sflag:s22], $0x40  }
0x57: {  	[sflag:s22] =	ssyncset.done $0x0  }
0x58: {  	s10 =	simm.s32 $0x2F8;
	s8 =	rddreg [dreg:$0xe];
	[sflag:s22] =	ssyncadd.s32 $0xFFFFFFC0  }
0x59: {  	[spmem:s8] =	stream.linear.scatter [tilespmem:s10], [sflag:$0x6], $0x40, $0x38;
	[tilespmem:$0x19BF8] =	vst v63  }
0x5a: {  	_ =	swait.ge [sflag:s22], $0x40  }
0x5b: {  	[sflag:s22] =	ssyncset.done $0x0  }
0x5c: {  	s25 =	simm.s32 $0x338;
	s11 =	rddreg [dreg:$0xf];
	[sflag:s22] =	ssyncadd.s32 $0xFFFFFFC0  }
0x5d: {  	[spmem:s11] =	stream.linear.scatter [tilespmem:s25], [sflag:$0x6], $0x40, $0x38;
	[tilespmem:$0x19BF8] =	vst v63  }
0x5e: {  	_ =	swait.ge [sflag:s22], $0x40  }
0x5f: {  	[sflag:s22] =	ssyncset.done $0x0  }
0x60: {  	s10 =	simm.s32 $0x378;
	s8 =	rddreg [dreg:$0x10];
	[sflag:s22] =	ssyncadd.s32 $0xFFFFFFC0  }
0x61: {  	[spmem:s8] =	stream.linear.scatter [tilespmem:s10], [sflag:$0x6], $0x40, $0x38;
	[tilespmem:$0x19BF8] =	vst v63  }
0x62: {  	_ =	swait.ge [sflag:s22], $0x40  }
0x63: {  	[sflag:s22] =	ssyncset.done $0x0  }
0x64: {  	s25 =	simm.s32 $0x3B8;
	s11 =	rddreg [dreg:$0x11];
	[sflag:s22] =	ssyncadd.s32 $0xFFFFFFC0  }
0x65: {  	[spmem:s11] =	stream.linear.scatter [tilespmem:s25], [sflag:$0x6], $0x40, $0x38;
	[tilespmem:$0x19BF8] =	vst v63  }
0x66: {  	_ =	swait.ge [sflag:s22], $0x40  }
0x67: {  	[sflag:s22] =	ssyncset.done $0x0  }
0x68: {  	s10 =	simm.s32 $0x3F8;
	s8 =	rddreg [dreg:$0x12];
	[sflag:s22] =	ssyncadd.s32 $0xFFFFFFC0  }
0x69: {  	[spmem:s8] =	stream.linear.scatter [tilespmem:s10], [sflag:$0x6], $0x40, $0x38;
	[tilespmem:$0x19BF8] =	vst v63  }
0x6a: {  	_ =	swait.ge [sflag:s22], $0x40  }
0x6b: {  	[sflag:s22] =	ssyncset.done $0x0  }
0x6c: {  	s25 =	simm.s32 $0x438;
	s11 =	rddreg [dreg:$0x13];
	[sflag:s22] =	ssyncadd.s32 $0xFFFFFFC0  }
0x6d: {  	[spmem:s11] =	stream.linear.scatter [tilespmem:s25], [sflag:$0x6], $0x40, $0x38;
	[tilespmem:$0x19BF8] =	vst v63  }
0x6e: {  	_ =	swait.ge [sflag:s22], $0x40  }
0x6f: {  	[sflag:s22] =	ssyncset.done $0x0  }
0x70: {  	s10 =	simm.s32 $0x478;
	s8 =	rddreg [dreg:$0x14];
	[sflag:s22] =	ssyncadd.s32 $0xFFFFFFC0  }
0x71: {  	[spmem:s8] =	stream.linear.scatter [tilespmem:s10], [sflag:$0x6], $0x40, $0x38;
	[tilespmem:$0x19BF8] =	vst v63  }
0x72: {  	_ =	swait.ge [sflag:s22], $0x40  }
0x73: {  	[sflag:s22] =	ssyncset.done $0x0  }
0x74: {  	s25 =	simm.s32 $0x4B8;
	s11 =	rddreg [dreg:$0x15];
	[sflag:s22] =	ssyncadd.s32 $0xFFFFFFC0  }
0x75: {  	[spmem:s11] =	stream.linear.scatter [tilespmem:s25], [sflag:$0x6], $0x40, $0x38;
	[tilespmem:$0x19BF8] =	vst v63  }
0x76: {  	_ =	swait.ge [sflag:s22], $0x40  }
0x77: {  	[sflag:s22] =	ssyncset.done $0x0  }
0x78: {  	s10 =	simm.s32 $0x4F8;
	s8 =	rddreg [dreg:$0x16];
	[sflag:s22] =	ssyncadd.s32 $0xFFFFFFC0  }
0x79: {  	[spmem:s8] =	stream.linear.scatter [tilespmem:s10], [sflag:$0x6], $0x40, $0x38;
	[tilespmem:$0x19BF8] =	vst v63  }
0x7a: {  	_ =	swait.ge [sflag:s22], $0x40  }
0x7b: {  	[sflag:s22] =	ssyncset.done $0x0  }
0x7c: {  	s25 =	simm.s32 $0x538;
	s11 =	rddreg [dreg:$0x17];
	[sflag:s22] =	ssyncadd.s32 $0xFFFFFFC0  }
0x7d: {  	[spmem:s11] =	stream.linear.scatter [tilespmem:s25], [sflag:$0x6], $0x40, $0x38;
	[tilespmem:$0x19BF8] =	vst v63  }
0x7e: {  	_ =	swait.ge [sflag:s22], $0x40  }
0x7f: {  	[sflag:s22] =	ssyncset.done $0x0  }
0x80: {  	s10 =	simm.s32 $0x578;
	s8 =	rddreg [dreg:$0x18];
	[sflag:s22] =	ssyncadd.s32 $0xFFFFFFC0  }
0x81: {  	[spmem:s8] =	stream.linear.scatter [tilespmem:s10], [sflag:$0x6], $0x40, $0x38;
	[tilespmem:$0x19BF8] =	vst v63  }
0x82: {  	_ =	swait.ge [sflag:s22], $0x40  }
0x83: {  	[sflag:s22] =	ssyncset.done $0x0  }
0x84: {  	s25 =	simm.s32 $0x5B8;
	s11 =	rddreg [dreg:$0x19];
	[sflag:s22] =	ssyncadd.s32 $0xFFFFFFC0  }
0x85: {  	[spmem:s11] =	stream.linear.scatter [tilespmem:s25], [sflag:$0x6], $0x40, $0x38;
	[tilespmem:$0x19BF8] =	vst v63  }
0x86: {  	_ =	swait.ge [sflag:s22], $0x40  }
0x87: {  	[sflag:s22] =	ssyncset.done $0x0  }
0x88: {  	s10 =	simm.s32 $0x5F8;
	s8 =	rddreg [dreg:$0x1a];
	[sflag:s22] =	ssyncadd.s32 $0xFFFFFFC0  }
0x89: {  	[spmem:s8] =	stream.linear.scatter [tilespmem:s10], [sflag:$0x6], $0x40, $0x38;
	[tilespmem:$0x19BF8] =	vst v63  }
0x8a: {  	_ =	swait.ge [sflag:s22], $0x40  }
0x8b: {  	[sflag:s22] =	ssyncset.done $0x0  }
0x8c: {  	s25 =	simm.s32 $0x638;
	s11 =	rddreg [dreg:$0x1b];
	[sflag:s22] =	ssyncadd.s32 $0xFFFFFFC0  }
0x8d: {  	[spmem:s11] =	stream.linear.scatter [tilespmem:s25], [sflag:$0x6], $0x40, $0x38;
	[tilespmem:$0x19BF8] =	vst v63  }
0x8e: {  	_ =	swait.ge [sflag:s22], $0x40  }
0x8f: {  	[sflag:s22] =	ssyncset.done $0x0  }
0x90: {  	s10 =	simm.s32 $0x678;
	s8 =	rddreg [dreg:$0x1c];
	[sflag:s22] =	ssyncadd.s32 $0xFFFFFFC0  }
0x91: {  	[spmem:s8] =	stream.linear.scatter [tilespmem:s10], [sflag:$0x6], $0x40, $0x38;
	[tilespmem:$0x19BF8] =	vst v63  }
0x92: {  	_ =	swait.ge [sflag:s22], $0x40  }
0x93: {  	[sflag:s22] =	ssyncset.done $0x0  }
0x94: {  	s25 =	simm.s32 $0x6B8;
	s11 =	rddreg [dreg:$0x1d];
	[sflag:s22] =	ssyncadd.s32 $0xFFFFFFC0  }
0x95: {  	[spmem:s11] =	stream.linear.scatter [tilespmem:s25], [sflag:$0x6], $0x40, $0x38;
	[tilespmem:$0x19BF8] =	vst v63  }
0x96: {  	_ =	swait.ge [sflag:s22], $0x40  }
0x97: {  	[sflag:s22] =	ssyncset.done $0x0  }
0x98: {  	s10 =	simm.s32 $0x6F8;
	s8 =	rddreg [dreg:$0x1e];
	[sflag:s22] =	ssyncadd.s32 $0xFFFFFFC0  }
0x99: {  	[spmem:s8] =	stream.linear.scatter [tilespmem:s10], [sflag:$0x6], $0x40, $0x38;
	[tilespmem:$0x19BF8] =	vst v63  }
0x9a: {  	_ =	swait.ge [sflag:s22], $0x40  }
0x9b: {  	[sflag:s22] =	ssyncset.done $0x0  }
0x9c: {  	s25 =	simm.s32 $0x738;
	s11 =	rddreg [dreg:$0x1f];
	[sflag:s22] =	ssyncadd.s32 $0xFFFFFFC0  }
0x9d: {  	[spmem:s11] =	stream.linear.scatter [tilespmem:s25], [sflag:$0x6], $0x40, $0x38;
	[tilespmem:$0x19BF8] =	vst v63  }
0x9e: {  	_ =	swait.ge [sflag:s22], $0x40  }
0x9f: {  	s8 =	sld [smem:$0x7FC]  }
0xa0: {  	[sflag:s22] =	ssyncset.done $0x0  }
0xa1: {  	s10 =	simm.s32 $0x778;
	[sflag:s22] =	ssyncadd.s32 $0xFFFFFFC0  }
0xa2: {  	[spmem:s8] =	stream.linear.scatter [tilespmem:s10], [sflag:$0x6], $0x40, $0x38;
	[tilespmem:$0x19BF8] =	vst v63  }
0xa3: {  	_ =	swait.ge [sflag:s22], $0x40  }
0xa4: {  	s11 =	sld [smem:$0x7FD]  }
0xa5: {  	[sflag:s22] =	ssyncset.done $0x0  }
0xa6: {  	s25 =	simm.s32 $0x7B8;
	[sflag:s22] =	ssyncadd.s32 $0xFFFFFFC0  }
0xa7: {  	[spmem:s11] =	stream.linear.scatter [tilespmem:s25], [sflag:$0x6], $0x40, $0x38;
	[tilespmem:$0x19BF8] =	vst v63  }
0xa8: {  	_ =	swait.ge [sflag:s22], $0x40  }
0xa9: {  	[sflag:s22] =	ssyncset.done $0x0  }
0xaa: {  	[sflag:s22] =	ssyncadd.s32 $0xFFFFFFC0  }
.LBB2_3:
0xab: {  	[bflag:$0x0] =	sbarrier.arrive $0xFFFF;
	s7 =	simm.s32 $0x0  }
0xac: {  	[tilespmem:s26], [sflag:$0x1] =	stream.linear.gather [hbm4b:s17+s7], $0x190, $0x38;
	[tilespmem:$0x19BF8] =	vst v63  }
0xad: {  	_ = 	snop  }
0xae: {  	[tilespmem:s28], [sflag:$0x2] =	stream.linear.gather [hbm4b:s12+s7], $0x190, $0x38;
	[tilespmem:$0x19BF8] =	vst v63  }
0xaf: {  	_ =	swait.ge [sflag:s29], $0x190  }
0xb0: {  	[sflag:s29] =	ssyncset.done $0x0  }
0xb1: {  	[sflag:s29] =	ssyncadd.s32 $0xFFFFFE70  }
0xb2: {  	[tilespmem:s26], [sflag:$0x1] =	stream.linear.gather [hbm4b:s18+s7], $0x190, $0x38;
	[tilespmem:$0x19BF8] =	vst v63  }
0xb3: {  	_ = 	snop  }
0xb4: {  	[tilespmem:s31], [sflag:$0x3] =	stream.indirect.gather [spmem:s1], $0x40, s26, s30, $0xb8;
	[tilespmem:$0x19BF8] =	vst v63  }
0xb5: {  	_ =	swait.ge [sflag:s0], $0x6400  }
0xb6: {  	[sflag:s0] =	ssyncset.done $0x0  }
0xb7: {  	[sflag:s0] =	ssyncadd.s32 $0xFFFF9C00  }
0xb8: {  	[hbm4b:s15+s7] =	stream.linear.scatter [tilespmem:s31], [sflag:$0x4], $0xC800, $0x38;
	[tilespmem:$0x19BF8] =	vst v63  }
0xb9: {  	_ =	swait.ge [sflag:s21], $0x190  }
0xba: {  	[sflag:s21] =	ssyncset.done $0x0  }
0xbb: {  	[sflag:s21] =	ssyncadd.s32 $0xFFFFFE70  }
0xbc: {  	[tilespmem:s28], [sflag:$0x2] =	stream.linear.gather [hbm4b:s13+s7], $0x190, $0x38;
	[tilespmem:$0x19BF8] =	vst v63  }
0xbd: {  	_ = 	snop  }
0xbe: {  	[tilespmem:s3], [sflag:$0x3] =	stream.indirect.gather [spmem:s1], $0x40, s28, s30, $0xb8;
	[tilespmem:$0x19BF8] =	vst v63  }
0xbf: {  	_ =	swait.ge [sflag:s0], $0x6400  }
0xc0: {  	[sflag:s0] =	ssyncset.done $0x0  }
0xc1: {  	[sflag:s0] =	ssyncadd.s32 $0xFFFF9C00  }
0xc2: {  	[hbm4b:s24+s7] =	stream.linear.scatter [tilespmem:s3], [sflag:$0x5], $0xC800, $0x38;
	[tilespmem:$0x19BF8] =	vst v63  }
0xc3: {  	_ =	swait.ge [sflag:s29], $0x190  }
0xc4: {  	[sflag:s29] =	ssyncset.done $0x0  }
0xc5: {  	s10 =	sadd.s32 $0x0, s20;
	[sflag:s29] =	ssyncadd.s32 $0xFFFFFE70  }
0xc6: {  	[tilespmem:s26], [sflag:$0x1] =	stream.linear.gather [hbm4b:s10+s2], $0x190, $0x38;
	[tilespmem:$0x19BF8] =	vst v63  }
0xc7: {  	_ =	swait.ge [sflag:s4], $0xC800  }
0xc8: {  	[sflag:s4] =	ssyncset.done $0x0  }
0xc9: {  	[sflag:s4] =	ssyncadd.s32 $0xFFFF3800  }
0xca: {  	[tilespmem:s31], [sflag:$0x3] =	stream.indirect.gather [spmem:s1], $0x40, s26, s30, $0xb8;
	[tilespmem:$0x19BF8] =	vst v63  }
0xcb: {  	_ =	swait.ge [sflag:s0], $0x6400  }
0xcc: {  	[sflag:s0] =	ssyncset.done $0x0  }
0xcd: {  	s11 =	sadd.s32 $0xFFFFE700, s9;
	[sflag:s0] =	ssyncadd.s32 $0xFFFF9C00  }
0xce: {  	[hbm4b:s11+s2] =	stream.linear.scatter [tilespmem:s31], [sflag:$0x4], $0xC800, $0x38;
	[tilespmem:$0x19BF8] =	vst v63  }
0xcf: {  	_ =	swait.ge [sflag:s21], $0x190  }
0xd0: {  	[sflag:s21] =	ssyncset.done $0x0  }
0xd1: {  	s25 =	sadd.s32 $0x0, s19;
	[sflag:s21] =	ssyncadd.s32 $0xFFFFFE70  }
0xd2: {  	[tilespmem:s28], [sflag:$0x2] =	stream.linear.gather [hbm4b:s25+s2], $0x190, $0x38;
	[tilespmem:$0x19BF8] =	vst v63  }
0xd3: {  	_ =	swait.ge [sflag:s5], $0xC800  }
0xd4: {  	[sflag:s5] =	ssyncset.done $0x0  }
0xd5: {  	[sflag:s5] =	ssyncadd.s32 $0xFFFF3800  }
0xd6: {  	[tilespmem:s3], [sflag:$0x3] =	stream.indirect.gather [spmem:s1], $0x40, s28, s30, $0xb8;
	[tilespmem:$0x19BF8] =	vst v63  }
0xd7: {  	_ =	swait.ge [sflag:s0], $0x6400  }
0xd8: {  	s8 =	sadd.s32 $0x3200, s9;
	[sflag:s0] =	ssyncset.done $0x0  }
0xd9: {  	s7 =	simm.s32 $0x64;
	s25 =	smov.u32 s9;
	[sflag:s0] =	ssyncadd.s32 $0xFFFF9C00  }
.LBB2_4:
0xda: {  	[hbm4b:s25+s2] =	stream.linear.scatter [tilespmem:s3], [sflag:$0x5], $0xC800, $0x38;
	[tilespmem:$0x19BF8] =	vst v63  }
0xdb: {  	s10 =	smov.u32 s7;
	s25 =	smov.u32 s8  }
0xdc: {  	p1 =	sne.s32 s7, $0xB54;
	s7 =	sadd.s32 $0x64, s7;
	_ =	swait.ge [sflag:s29], $0x190  }
0xdd: {  	[sflag:s29] =	ssyncset.done $0x0  }
0xde: {  	s11 =	sadd.s32 s10, s20;
	[sflag:s29] =	ssyncadd.s32 $0xFFFFFE70  }
0xdf: {  	[tilespmem:s26], [sflag:$0x1] =	stream.linear.gather [hbm4b:s11+s2], $0x190, $0x38;
	[tilespmem:$0x19BF8] =	vst v63  }
0xe0: {  	_ =	swait.ge [sflag:s4], $0xC800  }
0xe1: {  	[sflag:s4] =	ssyncset.done $0x0  }
0xe2: {  	[sflag:s4] =	ssyncadd.s32 $0xFFFF3800  }
0xe3: {  	[tilespmem:s31], [sflag:$0x3] =	stream.indirect.gather [spmem:s1], $0x40, s26, s30, $0xb8;
	[tilespmem:$0x19BF8] =	vst v63  }
0xe4: {  	_ =	swait.ge [sflag:s0], $0x6400  }
0xe5: {  	[sflag:s0] =	ssyncset.done $0x0  }
0xe6: {  	s11 =	sadd.s32 $0xFFFFE700, s8;
	[sflag:s0] =	ssyncadd.s32 $0xFFFF9C00  }
0xe7: {  	[hbm4b:s11+s2] =	stream.linear.scatter [tilespmem:s31], [sflag:$0x4], $0xC800, $0x38;
	[tilespmem:$0x19BF8] =	vst v63  }
0xe8: {  	_ =	swait.ge [sflag:s21], $0x190  }
0xe9: {  	[sflag:s21] =	ssyncset.done $0x0  }
0xea: {  	s10 =	sadd.s32 s10, s19;
	[sflag:s21] =	ssyncadd.s32 $0xFFFFFE70  }
0xeb: {  	[tilespmem:s28], [sflag:$0x2] =	stream.linear.gather [hbm4b:s10+s2], $0x190, $0x38;
	[tilespmem:$0x19BF8] =	vst v63  }
0xec: {  	_ =	swait.ge [sflag:s5], $0xC800  }
0xed: {  	[sflag:s5] =	ssyncset.done $0x0  }
.Ltmp1:
0xee: {  	[sflag:s5] =	ssyncadd.s32 $0xFFFF3800;
	(pc) =	sbr.rel @p1 .LBB2_4-.Ltmp1, $4  }
0xef: {  	[tilespmem:s3], [sflag:$0x3] =	stream.indirect.gather [spmem:s1], $0x40, s28, s30, $0xb8;
	[tilespmem:$0x19BF8] =	vst v63  }
0xf0: {  	_ =	swait.ge [sflag:s0], $0x6400  }
0xf1: {  	[sflag:s0] =	ssyncset.done $0x0  }
0xf2: {  	s8 =	sadd.s32 $0x3200, s8;
	[sflag:s0] =	ssyncadd.s32 $0xFFFF9C00  }
0xf3: {  	[hbm4b:s25+s2] =	stream.linear.scatter [tilespmem:s3], [sflag:$0x5], $0xC800, $0x38;
	[tilespmem:$0x19BF8] =	vst v63  }
0xf4: {  	_ =	swait.ge [sflag:s29], $0x190  }
0xf5: {  	[sflag:s29] =	ssyncset.done $0x0  }
0xf6: {  	[sflag:s29] =	ssyncadd.s32 $0xFFFFFE70  }
0xf7: {  	_ =	swait.ge [sflag:s4], $0xC800  }
0xf8: {  	[sflag:s4] =	ssyncset.done $0x0  }
0xf9: {  	[sflag:s4] =	ssyncadd.s32 $0xFFFF3800  }
0xfa: {  	[tilespmem:s31], [sflag:$0x3] =	stream.indirect.gather [spmem:s1], $0x40, s26, s30, $0xb8;
	[tilespmem:$0x19BF8] =	vst v63  }
0xfb: {  	_ =	swait.ge [sflag:s0], $0x6400  }
0xfc: {  	[sflag:s0] =	ssyncset.done $0x0  }
0xfd: {  	[sflag:s0] =	ssyncadd.s32 $0xFFFF9C00  }
0xfe: {  	[hbm4b:s14+s2] =	stream.linear.scatter [tilespmem:s31], [sflag:$0x4], $0xC800, $0x38;
	[tilespmem:$0x19BF8] =	vst v63  }
0xff: {  	_ =	swait.ge [sflag:s21], $0x190  }
0x100: {  	[sflag:s21] =	ssyncset.done $0x0  }
0x101: {  	[sflag:s21] =	ssyncadd.s32 $0xFFFFFE70  }
0x102: {  	_ =	swait.ge [sflag:s5], $0xC800  }
0x103: {  	[sflag:s5] =	ssyncset.done $0x0  }
0x104: {  	[sflag:s5] =	ssyncadd.s32 $0xFFFF3800  }
0x105: {  	[tilespmem:s3], [sflag:$0x3] =	stream.indirect.gather [spmem:s1], $0x40, s28, s30, $0xb8;
	[tilespmem:$0x19BF8] =	vst v63  }
0x106: {  	_ =	swait.ge [sflag:s0], $0x6400  }
0x107: {  	[sflag:s0] =	ssyncset.done $0x0  }
0x108: {  	s6 =	sadd.s32 $0x1, s6;
	[sflag:s0] =	ssyncadd.s32 $0xFFFF9C00  }
0x109: {  	[hbm4b:s16+s2] =	stream.linear.scatter [tilespmem:s3], [sflag:$0x5], $0xC800, $0x38;
	[tilespmem:$0x19BF8] =	vst v63  }
0x10a: {  	p1 =	sne.s32 s6, s23;
	_ =	swait.ge [sflag:s4], $0xC800  }
.Ltmp2:
0x10b: {  	[sflag:s4] =	ssyncset.done $0x0;
	(pc) =	sbr.rel @p1 .LBB2_1-.Ltmp2, $4  }
0x10c: {  	[sflag:s4] =	ssyncadd.s32 $0xFFFF3800  }
0x10d: {  	_ =	swait.ge [sflag:s5], $0xC800  }
0x10e: {  	[sflag:s5] =	ssyncset.done $0x0  }
0x10f: {  	[sflag:s5] =	ssyncadd.s32 $0xFFFF3800  }
0x110: {  	_ =	sfence.sel $0x180000  }
0x111: {  	[bflag:$0x0] =	sbarrier.arrive $0xFFFF  }
0x112: {  	_ =	strace $0x90000047  }
0x113: {  	[bflag:$0x2] =	sbarrier.arrive $0xFFFF  }
0x114: {  	s0 =	rddreg [dreg:$0x3]  }
0x115: {  	s0 =	sadd.s32 @!p0 $0x100000, s0  }
0x116: {  	[sflag:s0] =	ssyncadd.tile.s32 @!p0 $0x1;
	_ =	shalt  }
.Lfunc_end2:
_tile_overlayer_lowered:
.L_overlay_start_2:
0x117: {  	(tag) =	ssettag $0x2  }
0x118: {  	s0 =	rddreg [dreg:$0x0];
	s2 =	stileid.u32  }
0x119: {  	s1 =	rddreg [dreg:$0x1];
	p0 =	sne.s32 s2, $0x0  }
0x11a: {  	s3 =	rddreg [dreg:$0x2];
	[bflag:$0x3] =	sbarrier.arrive $0xFFFF;
	s2 =	simm.s32 @!p0 $0x1C06  }
0x11b: {  	[timem:s3], [sflag:s2] =	dma.local @!p0 [hbm:s0], s1  }
0x11c: {  	s0 =	simm.s32 @!p0 $0x6  }
0x11d: {  	_ =	swait.ge @!p0 [sflag:s0], s1  }
0x11e: {  	s1 =	ssub.s32 @!p0 $0x0, s1;
	[sflag:s0] =	ssyncset.done @!p0 $0x0  }
0x11f: {  	[sflag:s0] =	ssyncadd.s32 @!p0 s1  }
0x120: {  	[bflag:$0x3] =	sbarrier.arrive $0xFFFF  }
0x121: {  	_ =	shalt  }

</sc_bundles>
